<compile_context>
chip_gen: v7x
topology: tpu7x:2x2x1
jax: 0.10.2.dev20260603
libtpu: 0.0.44.dev20260713+nightly
codegen_flags: <defaults>
</compile_context>

<pallas_src>
import jax
import jax.numpy as jnp
from jax import lax
from jax.experimental import pallas as pl
from jax.experimental.pallas import tpu as pltpu
from jax.experimental.pallas import tpu_sc as plsc

LN = 16
VPAD = 128
BIG = 1 << 30


def _vreduce(op, v):
    r = v[0]
    for i in range(1, LN):
        r = op(r, v[i])
    return r


def _sc_body(tok_hbm, out_hbm, row_v, table_v, counts_v, lens_v, tmp_v, shared_len):
    Bn, T = tok_hbm.shape
    nch = T // LN
    cid = lax.axis_index("c")
    sid = lax.axis_index("s")
    row = sid
    iota = lax.iota(jnp.int32, LN)
    zero_i = jnp.zeros((LN,), jnp.int32)
    zero_f = jnp.zeros((LN,), jnp.float32)

    row_v[pl.ds(0, LN)] = zero_i
    pltpu.sync_copy(tok_hbm.at[row], row_v.at[pl.ds(LN, T)])

    UNR = 1

    def p1(i, carry):
        m1, m2, emin, npc = carry
        for u in range(UNR):
            base = (i * UNR + u) * LN
            cur = row_v[pl.ds(base + LN, LN)]
            prv = row_v[pl.ds(base + LN - 1, LN)]
            c0 = cur != 0
            p0 = prv != 0
            startm = c0 & (~p0)
            endm = (~c0) & p0
            idx = base + iota
            x = jnp.where(startm, idx, BIG)
            y = jnp.where(endm, idx, BIG)
            hi = jnp.maximum(m1, x)
            m1 = jnp.minimum(m1, x)
            m2 = jnp.minimum(m2, hi)
            emin = jnp.minimum(emin, y)
            npc = npc + jnp.where(c0, 1, 0).astype(jnp.int32)
            table_v[pl.ds(base, LN)] = zero_f
        return m1, m2, emin, npc

    big_v = jnp.full((LN,), BIG, jnp.int32)
    m1, m2, emin, npc = lax.fori_loop(0, nch // UNR, p1,
                                      (big_v, big_v, big_v, zero_i))
    s1 = _vreduce(jnp.minimum, m1)
    m1p = jnp.where(m1 == s1, m2, m1)
    s2 = _vreduce(jnp.minimum, m1p)
    e1 = _vreduce(jnp.minimum, emin)
    totnp = _vreduce(jnp.add, npc)
    has2 = s2 < BIG
    s = jnp.where(has2, s2, 0)
    mylen = jnp.where(has2, totnp - (e1 - s1), totnp)

    tmp_v[...] = zero_i + mylen
    pltpu.sync_copy(tmp_v, shared_len.at[pl.ds(sid * LN, LN)])
    plsc.subcore_barrier()
    pltpu.sync_copy(shared_len, lens_v)

    def pm(l, acc):
        return jnp.maximum(acc, lens_v[pl.ds(l * LN, LN)])

    lmax_v = lax.fori_loop(0, LN, pm, zero_i)
    lwin = lmax_v[0]

    endw = s + lwin
    wend = jnp.minimum(endw, T)
    lanebase = iota * VPAD

    def p3(i, c):
        for u in range(UNR):
            base = (i * UNR + u) * LN
            cur = row_v[pl.ds(base + LN, LN)]
            idx = base + iota
            m = (cur != 0) & (idx >= s) & (idx < wend)
            ww = jnp.where(m, 1.0, 0.0).astype(jnp.float32)
            tokc = jnp.minimum(cur, VPAD - 1)
            plsc.addupdate_scatter(table_v, [lanebase + tokc], ww)
        return c

    lax.fori_loop(0, nch // UNR, p3, 0)

    lastv = row_v[pl.ds(T, LN)]
    last_tok = lastv[LN - 1]
    extra = jnp.maximum(endw - T, 0)
    emask = (iota == 0) & (last_tok != 0) & (extra > 0)
    eidx = zero_i + jnp.minimum(last_tok, VPAD - 1)
    plsc.addupdate_scatter(table_v, [eidx], zero_f + extra.astype(jnp.float32),
                           mask=emask)

    def pf(c, _):
        def pfi(l, accf):
            return accf + table_v[pl.ds(l * VPAD + c * LN, LN)]
        counts_v[pl.ds(c * LN, LN)] = lax.fori_loop(0, LN, pfi, zero_f)
        return 0

    lax.fori_loop(0, VPAD // LN, pf, 0)

    @pl.when(cid == 0)
    def _():
        pltpu.sync_copy(counts_v, out_hbm.at[row])


def _sc_counts(input_ids):
    Bn, T = input_ids.shape
    mesh = plsc.VectorSubcoreMesh(core_axis_name="c", subcore_axis_name="s",
                                  num_cores=1, num_subcores=16)
    return pl.kernel(
        _sc_body,
        out_type=jax.ShapeDtypeStruct((Bn, VPAD), jnp.float32),
        mesh=mesh,
        compiler_params=pltpu.CompilerParams(needs_layout_passes=False,
                                             use_tc_tiling_on_sc=False),
        scratch_types=[
            pltpu.VMEM((T + LN,), jnp.int32),
            pltpu.VMEM((LN * VPAD,), jnp.float32),
            pltpu.VMEM((VPAD,), jnp.float32),
            pltpu.VMEM((LN * LN,), jnp.int32),
            pltpu.VMEM((LN,), jnp.int32),
            pltpu.VMEM_SHARED((LN * LN,), jnp.int32),
        ],
    )(input_ids)


def _tc_matmul_kernel(counts_ref, emb_ref, pos_ref, w_ref, out_ref):
    counts = counts_ref[...]
    Bn = counts.shape[0]
    T = pos_ref.shape[0]
    V = emb_ref.shape[0]
    cnt = jnp.sum(counts, axis=1, keepdims=True)
    t_iota = lax.broadcasted_iota(jnp.int32, (Bn, T), 1)
    posmask = (t_iota < cnt.astype(jnp.int32)).astype(jnp.float32)
    pooled = (jnp.dot(counts[:, :V], emb_ref[...],
                      preferred_element_type=jnp.float32)
              + jnp.dot(posmask, pos_ref[...], preferred_element_type=jnp.float32)
              ) / cnt
    out_ref[...] = jnp.dot(pooled, w_ref[...], preferred_element_type=jnp.float32)


def kernel(input_ids, emb, pos_emb, W_out):
    Bn, T = input_ids.shape
    V, D = emb.shape
    counts = _sc_counts(input_ids)
    return pl.pallas_call(
        _tc_matmul_kernel,
        out_shape=jax.ShapeDtypeStruct((Bn, D), jnp.float32),
    )(counts, emb, pos_emb, W_out)

# --- scband reference (transcript-rebuilt; emitter-appended) ---
"""Pipeline reference for scband-model-wrapper-23081154248825 (READ-ONLY COPY).

The authoritative reference and input builder live on the scoring server;
editing this copy changes nothing except your own understanding.
"""

import jax, jax.numpy as jnp
import numpy as np

B, T, VOCAB, D = 16, 2048, 100, 512

def _extract_segments(tokens):
    # Faithful JAX port of extract_input_and_output_segments (pad_token_id=0),
    # using fixed-width windows masked to the data-dependent segment lengths.
    tokens = jnp.asarray(tokens)
    Bn, Tn = tokens.shape
    non_pad = (tokens != 0).astype(jnp.int32)
    changes = jnp.concatenate([jnp.zeros((Bn, 1), dtype=jnp.int32), non_pad], axis=1)
    starts_mask = (changes[:, 1:] - changes[:, :-1]) == 1
    starts_cum = jnp.cumsum(starts_mask.astype(jnp.int32), axis=1)
    first_starts = jnp.argmax(starts_cum >= 1, axis=1)
    second_starts = jnp.argmax(starts_cum >= 2, axis=1)
    input_len = jnp.min(second_starts - first_starts)
    suffix_counts = jnp.cumsum(non_pad[:, ::-1], axis=1)[:, ::-1]
    lengths = jnp.take_along_axis(suffix_counts, second_starts[:, None], axis=1)[:, 0]
    output_len = jnp.max(lengths)
    batch_idx = jnp.arange(Bn)[:, None]
    j = jnp.arange(Tn)[None, :]
    input_idx = jnp.clip(first_starts[:, None] + j, 0, Tn - 1)
    output_idx = jnp.clip(second_starts[:, None] + j, 0, Tn - 1)
    input_seqs = jnp.where(j < input_len, tokens[batch_idx, input_idx], 0)
    output_seqs = jnp.where(j < output_len, tokens[batch_idx, output_idx], 0)
    return input_seqs, output_seqs

def setup_inputs(seed: int = 0):
    key = jax.random.key(seed)
    k1, k2, k3, k4 = jax.random.split(key, 4)
    # fill_max=100 guarantees plenty of pad(0) runs so every row has >=2 segments
    input_ids = jax.random.randint(k1, (B, T), 0, VOCAB)
    emb = jax.random.normal(k2, (VOCAB, D), dtype=jnp.float32) * 0.02
    pos_emb = jax.random.normal(k3, (T, D), dtype=jnp.float32) * 0.02
    W_out = jax.random.normal(k4, (D, D), dtype=jnp.float32) * 0.02
    return {"input_ids": input_ids, "emb": emb, "pos_emb": pos_emb, "W_out": W_out}

def reference(input_ids, emb, pos_emb, W_out):
    # Wrapper.forward: extract second segment as labels, build attention_mask,
    # position_ids, masked input_ids, then run the (stand-in) inner model.
    _, labels = _extract_segments(input_ids)
    mask = labels != 0
    position_ids = jnp.cumsum(mask.astype(jnp.int32), axis=1) - mask.astype(jnp.int32)
    ids = jnp.where(mask, labels, 0)
    ids_j = jnp.asarray(ids)
    pos_j = jnp.asarray(position_ids)
    mask_j = jnp.asarray(mask.astype(jnp.float32))
    hidden = jnp.take(emb, ids_j, axis=0) + jnp.take(pos_emb, pos_j, axis=0)
    h = hidden * mask_j[:, :, None]
    pooled = jnp.sum(h, axis=1) / jnp.sum(mask_j, axis=1, keepdims=True)
    out = pooled @ W_out
    return out

if __name__ == "__main__":
    import jax
    _d = setup_inputs()
    print(jax.jit(kernel)(*tuple(_d.values())))

</pallas_src>

<mosaic_0001>
#map = affine_map<(d0, d1) -> (0, 0)>
module attributes {stable_mosaic.version = 14 : i64} {
  func.func @_sc_body(%arg0: i32, %arg1: i32, %arg2: memref<16x2048xi32, #tpu.memory_space<hbm>>, %arg3: memref<16x128xf32, #tpu.memory_space<hbm>>, %arg4: memref<2064xi32, #tpu.memory_space<vmem>>, %arg5: memref<2048xf32, #tpu.memory_space<vmem>>, %arg6: memref<128xf32, #tpu.memory_space<vmem>>, %arg7: memref<256xi32, #tpu.memory_space<vmem>>, %arg8: memref<16xi32, #tpu.memory_space<vmem>>, %arg9: memref<256xi32, #tpu.memory_space<vmem_shared>>) attributes {dimension_semantics = [#tpu.dimension_semantics<core_parallel>, #tpu.dimension_semantics<subcore_parallel>], iteration_bounds = array<i64: 1, 16>, scalar_prefetch = 0 : i64, scratch_operands = 6 : i64, tpu.core_type = #tpu.core_type<sc_vector_subcore>, window_params = [{transform_indices = #map}, {transform_indices = #map}]} {
    %iota3A = tpu.iota {dimensions = array<i32: 0>} : vector<16xi32>
    %broadcast_in_dim3A = arith.constant 0 : i32
    %broadcast_in_dim3A_0 = vector.broadcast %broadcast_in_dim3A : i32 to vector<16xi32>
    %broadcast_in_dim3A_1 = arith.constant 0.000000e+00 : f32
    %broadcast_in_dim3A_2 = vector.broadcast %broadcast_in_dim3A_1 : f32 to vector<16xf32>
    %swap3A = arith.constant 0 : index
    %swap3A_3 = tpu.vector_load %arg4[%swap3A] {strides = array<i32>} : memref<2064xi32, #tpu.memory_space<vmem>>, vector<16xi32>,
    tpu.vector_store %arg4[%swap3A], %broadcast_in_dim3A_0 {strides = array<i32>} : memref<2064xi32, #tpu.memory_space<vmem>>, vector<16xi32>,
    "tpu.region"() ({
      %run_scoped3A = tpu.sem_alloc : memref<!tpu.dma_semaphore, #tpu.memory_space<semaphore_mem>>
      %dma_start3A = arith.constant 16 : i32
      %dma_start3A_256 = tpu.memref_slice %arg4[%dma_start3A] : memref<2064xi32, #tpu.memory_space<vmem>> -> memref<2048xi32, #tpu.memory_space<vmem>>
      %dma_start3A_257 = arith.constant 0 : i32
      %dma_start3A_258 = tpu.memref_slice %arg2[%arg1, %dma_start3A_257] : memref<16x2048xi32, #tpu.memory_space<hbm>> -> memref<1x2048xi32, #tpu.memory_space<hbm>>
      %dma_start3A_259 = tpu.memref_squeeze %dma_start3A_258 : memref<1x2048xi32, #tpu.memory_space<hbm>> -> memref<2048xi32, #tpu.memory_space<hbm>>
      %dma_start3A_260 = arith.constant 16 : i32
      %dma_start3A_261 = tpu.memref_slice %arg4[%dma_start3A_260] : memref<2064xi32, #tpu.memory_space<vmem>> -> memref<2048xi32, #tpu.memory_space<vmem>>
      %dma_start3A_262 = arith.constant 0 : i32
      %dma_start3A_263 = tpu.memref_slice %arg2[%arg1, %dma_start3A_262] : memref<16x2048xi32, #tpu.memory_space<hbm>> -> memref<1x2048xi32, #tpu.memory_space<hbm>>
      %dma_start3A_264 = tpu.memref_squeeze %dma_start3A_263 : memref<1x2048xi32, #tpu.memory_space<hbm>> -> memref<2048xi32, #tpu.memory_space<hbm>>
      tpu.enqueue_dma source(%dma_start3A_264 : memref<2048xi32, #tpu.memory_space<hbm>>) target(%dma_start3A_261 : memref<2048xi32, #tpu.memory_space<vmem>>) target_semaphore(%run_scoped3A : memref<!tpu.dma_semaphore, #tpu.memory_space<semaphore_mem>>)
      %dma_wait3A = arith.constant 16 : i32
      %dma_wait3A_265 = tpu.memref_slice %arg4[%dma_wait3A] : memref<2064xi32, #tpu.memory_space<vmem>> -> memref<2048xi32, #tpu.memory_space<vmem>>
      %dma_wait3A_266 = arith.constant 0 : i32
      %dma_wait3A_267 = tpu.memref_slice %arg2[%arg1, %dma_wait3A_266] : memref<16x2048xi32, #tpu.memory_space<hbm>> -> memref<1x2048xi32, #tpu.memory_space<hbm>>
      %dma_wait3A_268 = tpu.memref_squeeze %dma_wait3A_267 : memref<1x2048xi32, #tpu.memory_space<hbm>> -> memref<2048xi32, #tpu.memory_space<hbm>>
      %dma_wait3A_269 = arith.constant 16 : i32
      %dma_wait3A_270 = tpu.memref_slice %arg4[%dma_wait3A_269] : memref<2064xi32, #tpu.memory_space<vmem>> -> memref<2048xi32, #tpu.memory_space<vmem>>
      %dma_wait3A_271 = arith.constant 0 : i32
      %dma_wait3A_272 = tpu.memref_slice %arg2[%arg1, %dma_wait3A_271] : memref<16x2048xi32, #tpu.memory_space<hbm>> -> memref<1x2048xi32, #tpu.memory_space<hbm>>
      %dma_wait3A_273 = tpu.memref_squeeze %dma_wait3A_272 : memref<1x2048xi32, #tpu.memory_space<hbm>> -> memref<2048xi32, #tpu.memory_space<hbm>>
      tpu.wait_dma2 semaphore(%run_scoped3A : memref<!tpu.dma_semaphore, #tpu.memory_space<semaphore_mem>>) src(%dma_wait3A_273 : memref<2048xi32, #tpu.memory_space<hbm>>) dst(%dma_wait3A_270 : memref<2048xi32, #tpu.memory_space<vmem>>)
      tpu.yield
    }) : () -> ()
    %broadcast_in_dim3A_4 = arith.constant 1073741824 : i32
    %broadcast_in_dim3A_5 = vector.broadcast %broadcast_in_dim3A_4 : i32 to vector<16xi32>
    %scan3A = arith.constant 0 : i32
    %scan3A_6 = arith.constant 128 : i32
    %scan3A_7 = arith.addi %scan3A, %scan3A_6 : i32
    %scan3A_8 = arith.constant 1 : i32
    %scan3A_9:4 = scf.for %scan3A_256 = %scan3A to %scan3A_7 step %scan3A_8 iter_args(%scan3A_257 = %broadcast_in_dim3A_5, %scan3A_258 = %broadcast_in_dim3A_5, %scan3A_259 = %broadcast_in_dim3A_5, %scan3A_260 = %broadcast_in_dim3A_0) -> (vector<16xi32>, vector<16xi32>, vector<16xi32>, vector<16xi32>)  : i32 {
      %mul3A_261 = arith.constant 1 : i32
      %mul3A_262 = arith.muli %scan3A_256, %mul3A_261 : i32
      %add3A_263 = arith.constant 0 : i32
      %add3A_264 = arith.addi %mul3A_262, %add3A_263 : i32
      %mul3A_265 = arith.constant 16 : i32
      %mul3A_266 = arith.muli %add3A_264, %mul3A_265 : i32
      %add3A_267 = arith.constant 16 : i32
      %add3A_268 = arith.addi %mul3A_266, %add3A_267 : i32
      %get3A_269 = arith.index_cast %add3A_268 : i32 to index
      %get3A_270 = tpu.vector_load %arg4[%get3A_269] {strides = array<i32>} : memref<2064xi32, #tpu.memory_space<vmem>>, vector<16xi32>,
      %add3A_271 = arith.constant 16 : i32
      %add3A_272 = arith.addi %mul3A_266, %add3A_271 : i32
      %sub3A_273 = arith.constant 1 : i32
      %sub3A_274 = arith.subi %add3A_272, %sub3A_273 : i32
      %get3A_275 = arith.index_cast %sub3A_274 : i32 to index
      %get3A_276 = tpu.vector_load %arg4[%get3A_275] {strides = array<i32>} : memref<2064xi32, #tpu.memory_space<vmem>>, vector<16xi32>,
      %ne3A_277 = arith.constant 0 : i32
      %ne3A_278 = vector.broadcast %ne3A_277 : i32 to vector<16xi32>
      %ne3A_279 = arith.cmpi ne, %get3A_270, %ne3A_278 : vector<16xi32>
      %ne3A_280 = arith.constant 0 : i32
      %ne3A_281 = vector.broadcast %ne3A_280 : i32 to vector<16xi32>
      %ne3A_282 = arith.cmpi ne, %get3A_276, %ne3A_281 : vector<16xi32>
      %not3A = arith.constant dense<true> : vector<16xi1>
      %not3A_283 = arith.xori %ne3A_282, %not3A : vector<16xi1>
      %and3A_284 = arith.andi %ne3A_279, %not3A_283 : vector<16xi1>
      %not3A_285 = arith.constant dense<true> : vector<16xi1>
      %not3A_286 = arith.xori %ne3A_279, %not3A_285 : vector<16xi1>
      %and3A_287 = arith.andi %not3A_286, %ne3A_282 : vector<16xi1>
      %add3A_288 = vector.broadcast %mul3A_266 : i32 to vector<16xi32>
      %add3A_289 = arith.addi %add3A_288, %iota3A : vector<16xi32>
      %jit3A_290 = arith.constant 1073741824 : i32
      %broadcast_in_dim3A_291 = vector.broadcast %jit3A_290 : i32 to vector<16xi32>
      %select_n3A_292 = arith.select %and3A_284, %add3A_289, %broadcast_in_dim3A_291 : vector<16xi1>, vector<16xi32>
      %jit3A_293 = arith.constant 1073741824 : i32
      %broadcast_in_dim3A_294 = vector.broadcast %jit3A_293 : i32 to vector<16xi32>
      %select_n3A_295 = arith.select %and3A_287, %add3A_289, %broadcast_in_dim3A_294 : vector<16xi1>, vector<16xi32>
      %max3A_296 = arith.maxsi %scan3A_257, %select_n3A_292 : vector<16xi32>
      %min3A_297 = arith.minsi %scan3A_257, %select_n3A_292 : vector<16xi32>
      %min3A_298 = arith.minsi %scan3A_258, %max3A_296 : vector<16xi32>
      %min3A_299 = arith.minsi %scan3A_259, %select_n3A_295 : vector<16xi32>
      %jit3A_300 = arith.constant 1 : i32
      %jit3A_301 = arith.constant 0 : i32
      %broadcast_in_dim3A_302 = vector.broadcast %jit3A_300 : i32 to vector<16xi32>
      %broadcast_in_dim3A_303 = vector.broadcast %jit3A_301 : i32 to vector<16xi32>
      %select_n3A_304 = arith.select %ne3A_279, %broadcast_in_dim3A_302, %broadcast_in_dim3A_303 : vector<16xi1>, vector<16xi32>
      %add3A_305 = arith.addi %scan3A_260, %select_n3A_304 : vector<16xi32>
      %swap3A_306 = arith.index_cast %mul3A_266 : i32 to index
      %swap3A_307 = tpu.vector_load %arg5[%swap3A_306] {strides = array<i32>} : memref<2048xf32, #tpu.memory_space<vmem>>, vector<16xf32>,
      tpu.vector_store %arg5[%swap3A_306], %broadcast_in_dim3A_2 {strides = array<i32>} : memref<2048xf32, #tpu.memory_space<vmem>>, vector<16xf32>,
      scf.yield %min3A_297, %min3A_298, %min3A_299, %add3A_305 : vector<16xi32>, vector<16xi32>, vector<16xi32>, vector<16xi32>
    }
    %scan3A_10 = arith.constant 128 : i32
    %slice3A = vector.extract_strided_slice %scan3A_9#0 {offsets = [0], sizes = [1], strides = [1]} : vector<16xi32> to vector<1xi32>
    %squeeze3A = vector.extract %slice3A[0] : i32 from vector<1xi32>
    %slice3A_11 = vector.extract_strided_slice %scan3A_9#0 {offsets = [1], sizes = [1], strides = [1]} : vector<16xi32> to vector<1xi32>
    %squeeze3A_12 = vector.extract %slice3A_11[0] : i32 from vector<1xi32>
    %min3A = arith.minsi %squeeze3A, %squeeze3A_12 : i32
    %slice3A_13 = vector.extract_strided_slice %scan3A_9#0 {offsets = [2], sizes = [1], strides = [1]} : vector<16xi32> to vector<1xi32>
    %squeeze3A_14 = vector.extract %slice3A_13[0] : i32 from vector<1xi32>
    %min3A_15 = arith.minsi %min3A, %squeeze3A_14 : i32
    %slice3A_16 = vector.extract_strided_slice %scan3A_9#0 {offsets = [3], sizes = [1], strides = [1]} : vector<16xi32> to vector<1xi32>
    %squeeze3A_17 = vector.extract %slice3A_16[0] : i32 from vector<1xi32>
    %min3A_18 = arith.minsi %min3A_15, %squeeze3A_17 : i32
    %slice3A_19 = vector.extract_strided_slice %scan3A_9#0 {offsets = [4], sizes = [1], strides = [1]} : vector<16xi32> to vector<1xi32>
    %squeeze3A_20 = vector.extract %slice3A_19[0] : i32 from vector<1xi32>
    %min3A_21 = arith.minsi %min3A_18, %squeeze3A_20 : i32
    %slice3A_22 = vector.extract_strided_slice %scan3A_9#0 {offsets = [5], sizes = [1], strides = [1]} : vector<16xi32> to vector<1xi32>
    %squeeze3A_23 = vector.extract %slice3A_22[0] : i32 from vector<1xi32>
    %min3A_24 = arith.minsi %min3A_21, %squeeze3A_23 : i32
    %slice3A_25 = vector.extract_strided_slice %scan3A_9#0 {offsets = [6], sizes = [1], strides = [1]} : vector<16xi32> to vector<1xi32>
    %squeeze3A_26 = vector.extract %slice3A_25[0] : i32 from vector<1xi32>
    %min3A_27 = arith.minsi %min3A_24, %squeeze3A_26 : i32
    %slice3A_28 = vector.extract_strided_slice %scan3A_9#0 {offsets = [7], sizes = [1], strides = [1]} : vector<16xi32> to vector<1xi32>
    %squeeze3A_29 = vector.extract %slice3A_28[0] : i32 from vector<1xi32>
    %min3A_30 = arith.minsi %min3A_27, %squeeze3A_29 : i32
    %slice3A_31 = vector.extract_strided_slice %scan3A_9#0 {offsets = [8], sizes = [1], strides = [1]} : vector<16xi32> to vector<1xi32>
    %squeeze3A_32 = vector.extract %slice3A_31[0] : i32 from vector<1xi32>
    %min3A_33 = arith.minsi %min3A_30, %squeeze3A_32 : i32
    %slice3A_34 = vector.extract_strided_slice %scan3A_9#0 {offsets = [9], sizes = [1], strides = [1]} : vector<16xi32> to vector<1xi32>
    %squeeze3A_35 = vector.extract %slice3A_34[0] : i32 from vector<1xi32>
    %min3A_36 = arith.minsi %min3A_33, %squeeze3A_35 : i32
    %slice3A_37 = vector.extract_strided_slice %scan3A_9#0 {offsets = [10], sizes = [1], strides = [1]} : vector<16xi32> to vector<1xi32>
    %squeeze3A_38 = vector.extract %slice3A_37[0] : i32 from vector<1xi32>
    %min3A_39 = arith.minsi %min3A_36, %squeeze3A_38 : i32
    %slice3A_40 = vector.extract_strided_slice %scan3A_9#0 {offsets = [11], sizes = [1], strides = [1]} : vector<16xi32> to vector<1xi32>
    %squeeze3A_41 = vector.extract %slice3A_40[0] : i32 from vector<1xi32>
    %min3A_42 = arith.minsi %min3A_39, %squeeze3A_41 : i32
    %slice3A_43 = vector.extract_strided_slice %scan3A_9#0 {offsets = [12], sizes = [1], strides = [1]} : vector<16xi32> to vector<1xi32>
    %squeeze3A_44 = vector.extract %slice3A_43[0] : i32 from vector<1xi32>
    %min3A_45 = arith.minsi %min3A_42, %squeeze3A_44 : i32
    %slice3A_46 = vector.extract_strided_slice %scan3A_9#0 {offsets = [13], sizes = [1], strides = [1]} : vector<16xi32> to vector<1xi32>
    %squeeze3A_47 = vector.extract %slice3A_46[0] : i32 from vector<1xi32>
    %min3A_48 = arith.minsi %min3A_45, %squeeze3A_47 : i32
    %slice3A_49 = vector.extract_strided_slice %scan3A_9#0 {offsets = [14], sizes = [1], strides = [1]} : vector<16xi32> to vector<1xi32>
    %squeeze3A_50 = vector.extract %slice3A_49[0] : i32 from vector<1xi32>
    %min3A_51 = arith.minsi %min3A_48, %squeeze3A_50 : i32
    %slice3A_52 = vector.extract_strided_slice %scan3A_9#0 {offsets = [15], sizes = [1], strides = [1]} : vector<16xi32> to vector<1xi32>
    %squeeze3A_53 = vector.extract %slice3A_52[0] : i32 from vector<1xi32>
    %min3A_54 = arith.minsi %min3A_51, %squeeze3A_53 : i32
    %eq3A = vector.broadcast %min3A_54 : i32 to vector<16xi32>
    %eq3A_55 = arith.cmpi eq, %scan3A_9#0, %eq3A : vector<16xi32>
    %select_n3A = arith.select %eq3A_55, %scan3A_9#1, %scan3A_9#0 : vector<16xi1>, vector<16xi32>
    %slice3A_56 = vector.extract_strided_slice %select_n3A {offsets = [0], sizes = [1], strides = [1]} : vector<16xi32> to vector<1xi32>
    %squeeze3A_57 = vector.extract %slice3A_56[0] : i32 from vector<1xi32>
    %slice3A_58 = vector.extract_strided_slice %select_n3A {offsets = [1], sizes = [1], strides = [1]} : vector<16xi32> to vector<1xi32>
    %squeeze3A_59 = vector.extract %slice3A_58[0] : i32 from vector<1xi32>
    %min3A_60 = arith.minsi %squeeze3A_57, %squeeze3A_59 : i32
    %slice3A_61 = vector.extract_strided_slice %select_n3A {offsets = [2], sizes = [1], strides = [1]} : vector<16xi32> to vector<1xi32>
    %squeeze3A_62 = vector.extract %slice3A_61[0] : i32 from vector<1xi32>
    %min3A_63 = arith.minsi %min3A_60, %squeeze3A_62 : i32
    %slice3A_64 = vector.extract_strided_slice %select_n3A {offsets = [3], sizes = [1], strides = [1]} : vector<16xi32> to vector<1xi32>
    %squeeze3A_65 = vector.extract %slice3A_64[0] : i32 from vector<1xi32>
    %min3A_66 = arith.minsi %min3A_63, %squeeze3A_65 : i32
    %slice3A_67 = vector.extract_strided_slice %select_n3A {offsets = [4], sizes = [1], strides = [1]} : vector<16xi32> to vector<1xi32>
    %squeeze3A_68 = vector.extract %slice3A_67[0] : i32 from vector<1xi32>
    %min3A_69 = arith.minsi %min3A_66, %squeeze3A_68 : i32
    %slice3A_70 = vector.extract_strided_slice %select_n3A {offsets = [5], sizes = [1], strides = [1]} : vector<16xi32> to vector<1xi32>
    %squeeze3A_71 = vector.extract %slice3A_70[0] : i32 from vector<1xi32>
    %min3A_72 = arith.minsi %min3A_69, %squeeze3A_71 : i32
    %slice3A_73 = vector.extract_strided_slice %select_n3A {offsets = [6], sizes = [1], strides = [1]} : vector<16xi32> to vector<1xi32>
    %squeeze3A_74 = vector.extract %slice3A_73[0] : i32 from vector<1xi32>
    %min3A_75 = arith.minsi %min3A_72, %squeeze3A_74 : i32
    %slice3A_76 = vector.extract_strided_slice %select_n3A {offsets = [7], sizes = [1], strides = [1]} : vector<16xi32> to vector<1xi32>
    %squeeze3A_77 = vector.extract %slice3A_76[0] : i32 from vector<1xi32>
    %min3A_78 = arith.minsi %min3A_75, %squeeze3A_77 : i32
    %slice3A_79 = vector.extract_strided_slice %select_n3A {offsets = [8], sizes = [1], strides = [1]} : vector<16xi32> to vector<1xi32>
    %squeeze3A_80 = vector.extract %slice3A_79[0] : i32 from vector<1xi32>
    %min3A_81 = arith.minsi %min3A_78, %squeeze3A_80 : i32
    %slice3A_82 = vector.extract_strided_slice %select_n3A {offsets = [9], sizes = [1], strides = [1]} : vector<16xi32> to vector<1xi32>
    %squeeze3A_83 = vector.extract %slice3A_82[0] : i32 from vector<1xi32>
    %min3A_84 = arith.minsi %min3A_81, %squeeze3A_83 : i32
    %slice3A_85 = vector.extract_strided_slice %select_n3A {offsets = [10], sizes = [1], strides = [1]} : vector<16xi32> to vector<1xi32>
    %squeeze3A_86 = vector.extract %slice3A_85[0] : i32 from vector<1xi32>
    %min3A_87 = arith.minsi %min3A_84, %squeeze3A_86 : i32
    %slice3A_88 = vector.extract_strided_slice %select_n3A {offsets = [11], sizes = [1], strides = [1]} : vector<16xi32> to vector<1xi32>
    %squeeze3A_89 = vector.extract %slice3A_88[0] : i32 from vector<1xi32>
    %min3A_90 = arith.minsi %min3A_87, %squeeze3A_89 : i32
    %slice3A_91 = vector.extract_strided_slice %select_n3A {offsets = [12], sizes = [1], strides = [1]} : vector<16xi32> to vector<1xi32>
    %squeeze3A_92 = vector.extract %slice3A_91[0] : i32 from vector<1xi32>
    %min3A_93 = arith.minsi %min3A_90, %squeeze3A_92 : i32
    %slice3A_94 = vector.extract_strided_slice %select_n3A {offsets = [13], sizes = [1], strides = [1]} : vector<16xi32> to vector<1xi32>
    %squeeze3A_95 = vector.extract %slice3A_94[0] : i32 from vector<1xi32>
    %min3A_96 = arith.minsi %min3A_93, %squeeze3A_95 : i32
    %slice3A_97 = vector.extract_strided_slice %select_n3A {offsets = [14], sizes = [1], strides = [1]} : vector<16xi32> to vector<1xi32>
    %squeeze3A_98 = vector.extract %slice3A_97[0] : i32 from vector<1xi32>
    %min3A_99 = arith.minsi %min3A_96, %squeeze3A_98 : i32
    %slice3A_100 = vector.extract_strided_slice %select_n3A {offsets = [15], sizes = [1], strides = [1]} : vector<16xi32> to vector<1xi32>
    %squeeze3A_101 = vector.extract %slice3A_100[0] : i32 from vector<1xi32>
    %min3A_102 = arith.minsi %min3A_99, %squeeze3A_101 : i32
    %slice3A_103 = vector.extract_strided_slice %scan3A_9#2 {offsets = [0], sizes = [1], strides = [1]} : vector<16xi32> to vector<1xi32>
    %squeeze3A_104 = vector.extract %slice3A_103[0] : i32 from vector<1xi32>
    %slice3A_105 = vector.extract_strided_slice %scan3A_9#2 {offsets = [1], sizes = [1], strides = [1]} : vector<16xi32> to vector<1xi32>
    %squeeze3A_106 = vector.extract %slice3A_105[0] : i32 from vector<1xi32>
    %min3A_107 = arith.minsi %squeeze3A_104, %squeeze3A_106 : i32
    %slice3A_108 = vector.extract_strided_slice %scan3A_9#2 {offsets = [2], sizes = [1], strides = [1]} : vector<16xi32> to vector<1xi32>
    %squeeze3A_109 = vector.extract %slice3A_108[0] : i32 from vector<1xi32>
    %min3A_110 = arith.minsi %min3A_107, %squeeze3A_109 : i32
    %slice3A_111 = vector.extract_strided_slice %scan3A_9#2 {offsets = [3], sizes = [1], strides = [1]} : vector<16xi32> to vector<1xi32>
    %squeeze3A_112 = vector.extract %slice3A_111[0] : i32 from vector<1xi32>
    %min3A_113 = arith.minsi %min3A_110, %squeeze3A_112 : i32
    %slice3A_114 = vector.extract_strided_slice %scan3A_9#2 {offsets = [4], sizes = [1], strides = [1]} : vector<16xi32> to vector<1xi32>
    %squeeze3A_115 = vector.extract %slice3A_114[0] : i32 from vector<1xi32>
    %min3A_116 = arith.minsi %min3A_113, %squeeze3A_115 : i32
    %slice3A_117 = vector.extract_strided_slice %scan3A_9#2 {offsets = [5], sizes = [1], strides = [1]} : vector<16xi32> to vector<1xi32>
    %squeeze3A_118 = vector.extract %slice3A_117[0] : i32 from vector<1xi32>
    %min3A_119 = arith.minsi %min3A_116, %squeeze3A_118 : i32
    %slice3A_120 = vector.extract_strided_slice %scan3A_9#2 {offsets = [6], sizes = [1], strides = [1]} : vector<16xi32> to vector<1xi32>
    %squeeze3A_121 = vector.extract %slice3A_120[0] : i32 from vector<1xi32>
    %min3A_122 = arith.minsi %min3A_119, %squeeze3A_121 : i32
    %slice3A_123 = vector.extract_strided_slice %scan3A_9#2 {offsets = [7], sizes = [1], strides = [1]} : vector<16xi32> to vector<1xi32>
    %squeeze3A_124 = vector.extract %slice3A_123[0] : i32 from vector<1xi32>
    %min3A_125 = arith.minsi %min3A_122, %squeeze3A_124 : i32
    %slice3A_126 = vector.extract_strided_slice %scan3A_9#2 {offsets = [8], sizes = [1], strides = [1]} : vector<16xi32> to vector<1xi32>
    %squeeze3A_127 = vector.extract %slice3A_126[0] : i32 from vector<1xi32>
    %min3A_128 = arith.minsi %min3A_125, %squeeze3A_127 : i32
    %slice3A_129 = vector.extract_strided_slice %scan3A_9#2 {offsets = [9], sizes = [1], strides = [1]} : vector<16xi32> to vector<1xi32>
    %squeeze3A_130 = vector.extract %slice3A_129[0] : i32 from vector<1xi32>
    %min3A_131 = arith.minsi %min3A_128, %squeeze3A_130 : i32
    %slice3A_132 = vector.extract_strided_slice %scan3A_9#2 {offsets = [10], sizes = [1], strides = [1]} : vector<16xi32> to vector<1xi32>
    %squeeze3A_133 = vector.extract %slice3A_132[0] : i32 from vector<1xi32>
    %min3A_134 = arith.minsi %min3A_131, %squeeze3A_133 : i32
    %slice3A_135 = vector.extract_strided_slice %scan3A_9#2 {offsets = [11], sizes = [1], strides = [1]} : vector<16xi32> to vector<1xi32>
    %squeeze3A_136 = vector.extract %slice3A_135[0] : i32 from vector<1xi32>
    %min3A_137 = arith.minsi %min3A_134, %squeeze3A_136 : i32
    %slice3A_138 = vector.extract_strided_slice %scan3A_9#2 {offsets = [12], sizes = [1], strides = [1]} : vector<16xi32> to vector<1xi32>
    %squeeze3A_139 = vector.extract %slice3A_138[0] : i32 from vector<1xi32>
    %min3A_140 = arith.minsi %min3A_137, %squeeze3A_139 : i32
    %slice3A_141 = vector.extract_strided_slice %scan3A_9#2 {offsets = [13], sizes = [1], strides = [1]} : vector<16xi32> to vector<1xi32>
    %squeeze3A_142 = vector.extract %slice3A_141[0] : i32 from vector<1xi32>
    %min3A_143 = arith.minsi %min3A_140, %squeeze3A_142 : i32
    %slice3A_144 = vector.extract_strided_slice %scan3A_9#2 {offsets = [14], sizes = [1], strides = [1]} : vector<16xi32> to vector<1xi32>
    %squeeze3A_145 = vector.extract %slice3A_144[0] : i32 from vector<1xi32>
    %min3A_146 = arith.minsi %min3A_143, %squeeze3A_145 : i32
    %slice3A_147 = vector.extract_strided_slice %scan3A_9#2 {offsets = [15], sizes = [1], strides = [1]} : vector<16xi32> to vector<1xi32>
    %squeeze3A_148 = vector.extract %slice3A_147[0] : i32 from vector<1xi32>
    %min3A_149 = arith.minsi %min3A_146, %squeeze3A_148 : i32
    %slice3A_150 = vector.extract_strided_slice %scan3A_9#3 {offsets = [0], sizes = [1], strides = [1]} : vector<16xi32> to vector<1xi32>
    %squeeze3A_151 = vector.extract %slice3A_150[0] : i32 from vector<1xi32>
    %slice3A_152 = vector.extract_strided_slice %scan3A_9#3 {offsets = [1], sizes = [1], strides = [1]} : vector<16xi32> to vector<1xi32>
    %squeeze3A_153 = vector.extract %slice3A_152[0] : i32 from vector<1xi32>
    %add3A = arith.addi %squeeze3A_151, %squeeze3A_153 : i32
    %slice3A_154 = vector.extract_strided_slice %scan3A_9#3 {offsets = [2], sizes = [1], strides = [1]} : vector<16xi32> to vector<1xi32>
    %squeeze3A_155 = vector.extract %slice3A_154[0] : i32 from vector<1xi32>
    %add3A_156 = arith.addi %add3A, %squeeze3A_155 : i32
    %slice3A_157 = vector.extract_strided_slice %scan3A_9#3 {offsets = [3], sizes = [1], strides = [1]} : vector<16xi32> to vector<1xi32>
    %squeeze3A_158 = vector.extract %slice3A_157[0] : i32 from vector<1xi32>
    %add3A_159 = arith.addi %add3A_156, %squeeze3A_158 : i32
    %slice3A_160 = vector.extract_strided_slice %scan3A_9#3 {offsets = [4], sizes = [1], strides = [1]} : vector<16xi32> to vector<1xi32>
    %squeeze3A_161 = vector.extract %slice3A_160[0] : i32 from vector<1xi32>
    %add3A_162 = arith.addi %add3A_159, %squeeze3A_161 : i32
    %slice3A_163 = vector.extract_strided_slice %scan3A_9#3 {offsets = [5], sizes = [1], strides = [1]} : vector<16xi32> to vector<1xi32>
    %squeeze3A_164 = vector.extract %slice3A_163[0] : i32 from vector<1xi32>
    %add3A_165 = arith.addi %add3A_162, %squeeze3A_164 : i32
    %slice3A_166 = vector.extract_strided_slice %scan3A_9#3 {offsets = [6], sizes = [1], strides = [1]} : vector<16xi32> to vector<1xi32>
    %squeeze3A_167 = vector.extract %slice3A_166[0] : i32 from vector<1xi32>
    %add3A_168 = arith.addi %add3A_165, %squeeze3A_167 : i32
    %slice3A_169 = vector.extract_strided_slice %scan3A_9#3 {offsets = [7], sizes = [1], strides = [1]} : vector<16xi32> to vector<1xi32>
    %squeeze3A_170 = vector.extract %slice3A_169[0] : i32 from vector<1xi32>
    %add3A_171 = arith.addi %add3A_168, %squeeze3A_170 : i32
    %slice3A_172 = vector.extract_strided_slice %scan3A_9#3 {offsets = [8], sizes = [1], strides = [1]} : vector<16xi32> to vector<1xi32>
    %squeeze3A_173 = vector.extract %slice3A_172[0] : i32 from vector<1xi32>
    %add3A_174 = arith.addi %add3A_171, %squeeze3A_173 : i32
    %slice3A_175 = vector.extract_strided_slice %scan3A_9#3 {offsets = [9], sizes = [1], strides = [1]} : vector<16xi32> to vector<1xi32>
    %squeeze3A_176 = vector.extract %slice3A_175[0] : i32 from vector<1xi32>
    %add3A_177 = arith.addi %add3A_174, %squeeze3A_176 : i32
    %slice3A_178 = vector.extract_strided_slice %scan3A_9#3 {offsets = [10], sizes = [1], strides = [1]} : vector<16xi32> to vector<1xi32>
    %squeeze3A_179 = vector.extract %slice3A_178[0] : i32 from vector<1xi32>
    %add3A_180 = arith.addi %add3A_177, %squeeze3A_179 : i32
    %slice3A_181 = vector.extract_strided_slice %scan3A_9#3 {offsets = [11], sizes = [1], strides = [1]} : vector<16xi32> to vector<1xi32>
    %squeeze3A_182 = vector.extract %slice3A_181[0] : i32 from vector<1xi32>
    %add3A_183 = arith.addi %add3A_180, %squeeze3A_182 : i32
    %slice3A_184 = vector.extract_strided_slice %scan3A_9#3 {offsets = [12], sizes = [1], strides = [1]} : vector<16xi32> to vector<1xi32>
    %squeeze3A_185 = vector.extract %slice3A_184[0] : i32 from vector<1xi32>
    %add3A_186 = arith.addi %add3A_183, %squeeze3A_185 : i32
    %slice3A_187 = vector.extract_strided_slice %scan3A_9#3 {offsets = [13], sizes = [1], strides = [1]} : vector<16xi32> to vector<1xi32>
    %squeeze3A_188 = vector.extract %slice3A_187[0] : i32 from vector<1xi32>
    %add3A_189 = arith.addi %add3A_186, %squeeze3A_188 : i32
    %slice3A_190 = vector.extract_strided_slice %scan3A_9#3 {offsets = [14], sizes = [1], strides = [1]} : vector<16xi32> to vector<1xi32>
    %squeeze3A_191 = vector.extract %slice3A_190[0] : i32 from vector<1xi32>
    %add3A_192 = arith.addi %add3A_189, %squeeze3A_191 : i32
    %slice3A_193 = vector.extract_strided_slice %scan3A_9#3 {offsets = [15], sizes = [1], strides = [1]} : vector<16xi32> to vector<1xi32>
    %squeeze3A_194 = vector.extract %slice3A_193[0] : i32 from vector<1xi32>
    %add3A_195 = arith.addi %add3A_192, %squeeze3A_194 : i32
    %lt3A = arith.constant 1073741824 : i32
    %lt3A_196 = arith.cmpi slt, %min3A_102, %lt3A : i32
    %jit3A = arith.constant 0 : i32
    %select_n3A_197 = arith.select %lt3A_196, %min3A_102, %jit3A : i32
    %sub3A = arith.subi %min3A_149, %min3A_54 : i32
    %sub3A_198 = arith.subi %add3A_195, %sub3A : i32
    %select_n3A_199 = arith.select %lt3A_196, %sub3A_198, %add3A_195 : i32
    %add3A_200 = vector.broadcast %select_n3A_199 : i32 to vector<16xi32>
    %add3A_201 = arith.addi %broadcast_in_dim3A_0, %add3A_200 : vector<16xi32>
    %swap3A_202 = arith.constant 0 : index
    %swap3A_203 = tpu.vector_load %arg8[%swap3A_202] {strides = array<i32>} : memref<16xi32, #tpu.memory_space<vmem>>, vector<16xi32>,
    tpu.vector_store %arg8[%swap3A_202], %add3A_201 {strides = array<i32>} : memref<16xi32, #tpu.memory_space<vmem>>, vector<16xi32>,
    %mul3A = arith.constant 16 : i32
    %mul3A_204 = arith.muli %arg1, %mul3A : i32
    "tpu.region"() ({
      %run_scoped3A = tpu.sem_alloc : memref<!tpu.dma_semaphore, #tpu.memory_space<semaphore_mem>>
      %dma_start3A = tpu.memref_slice %arg9[%mul3A_204] : memref<256xi32, #tpu.memory_space<vmem_shared>> -> memref<16xi32, #tpu.memory_space<vmem_shared>>
      %dma_start3A_256 = tpu.memref_slice %arg9[%mul3A_204] : memref<256xi32, #tpu.memory_space<vmem_shared>> -> memref<16xi32, #tpu.memory_space<vmem_shared>>
      tpu.enqueue_dma source(%arg8 : memref<16xi32, #tpu.memory_space<vmem>>) target(%dma_start3A_256 : memref<16xi32, #tpu.memory_space<vmem_shared>>) target_semaphore(%run_scoped3A : memref<!tpu.dma_semaphore, #tpu.memory_space<semaphore_mem>>)
      %dma_wait3A = tpu.memref_slice %arg9[%mul3A_204] : memref<256xi32, #tpu.memory_space<vmem_shared>> -> memref<16xi32, #tpu.memory_space<vmem_shared>>
      %dma_wait3A_257 = tpu.memref_slice %arg9[%mul3A_204] : memref<256xi32, #tpu.memory_space<vmem_shared>> -> memref<16xi32, #tpu.memory_space<vmem_shared>>
      tpu.wait_dma2 semaphore(%run_scoped3A : memref<!tpu.dma_semaphore, #tpu.memory_space<semaphore_mem>>) src(%arg8 : memref<16xi32, #tpu.memory_space<vmem>>) dst(%dma_wait3A_257 : memref<16xi32, #tpu.memory_space<vmem_shared>>)
      tpu.yield
    }) : () -> ()
    %barrier3A = arith.constant 0 : index
    tpu.barrier barrier_id(%barrier3A)
    "tpu.region"() ({
      %run_scoped3A = tpu.sem_alloc : memref<!tpu.dma_semaphore, #tpu.memory_space<semaphore_mem>>
      tpu.enqueue_dma source(%arg9 : memref<256xi32, #tpu.memory_space<vmem_shared>>) target(%arg7 : memref<256xi32, #tpu.memory_space<vmem>>) target_semaphore(%run_scoped3A : memref<!tpu.dma_semaphore, #tpu.memory_space<semaphore_mem>>)
      tpu.wait_dma2 semaphore(%run_scoped3A : memref<!tpu.dma_semaphore, #tpu.memory_space<semaphore_mem>>) src(%arg9 : memref<256xi32, #tpu.memory_space<vmem_shared>>) dst(%arg7 : memref<256xi32, #tpu.memory_space<vmem>>)
      tpu.yield
    }) : () -> ()
    %scan3A_205 = arith.constant 0 : i32
    %scan3A_206 = arith.constant 16 : i32
    %scan3A_207 = arith.addi %scan3A_205, %scan3A_206 : i32
    %scan3A_208 = arith.constant 1 : i32
    %scan3A_209 = scf.for %scan3A_256 = %scan3A_205 to %scan3A_207 step %scan3A_208 iter_args(%scan3A_257 = %broadcast_in_dim3A_0) -> (vector<16xi32>)  : i32 {
      %mul3A_258 = arith.constant 16 : i32
      %mul3A_259 = arith.muli %scan3A_256, %mul3A_258 : i32
      %get3A_260 = arith.index_cast %mul3A_259 : i32 to index
      %get3A_261 = tpu.vector_load %arg7[%get3A_260] {strides = array<i32>} : memref<256xi32, #tpu.memory_space<vmem>>, vector<16xi32>,
      %max3A_262 = arith.maxsi %scan3A_257, %get3A_261 : vector<16xi32>
      scf.yield %max3A_262 : vector<16xi32>
    }
    %scan3A_210 = arith.constant 16 : i32
    %slice3A_211 = vector.extract_strided_slice %scan3A_209 {offsets = [0], sizes = [1], strides = [1]} : vector<16xi32> to vector<1xi32>
    %squeeze3A_212 = vector.extract %slice3A_211[0] : i32 from vector<1xi32>
    %add3A_213 = arith.addi %select_n3A_197, %squeeze3A_212 : i32
    %min3A_214 = arith.constant 2048 : i32
    %min3A_215 = arith.minsi %add3A_213, %min3A_214 : i32
    %mul3A_216 = arith.constant 128 : i32
    %mul3A_217 = vector.broadcast %mul3A_216 : i32 to vector<16xi32>
    %mul3A_218 = arith.muli %iota3A, %mul3A_217 : vector<16xi32>
    %scan3A_219 = arith.constant 0 : i32
    %scan3A_220 = arith.constant 0 : i32
    %scan3A_221 = arith.constant 128 : i32
    %scan3A_222 = arith.addi %scan3A_220, %scan3A_221 : i32
    %scan3A_223 = arith.constant 1 : i32
    scf.for %scan3A_256 = %scan3A_220 to %scan3A_222 step %scan3A_223  : i32 {
      %mul3A_257 = arith.constant 1 : i32
      %mul3A_258 = arith.muli %scan3A_256, %mul3A_257 : i32
      %add3A_259 = arith.constant 0 : i32
      %add3A_260 = arith.addi %mul3A_258, %add3A_259 : i32
      %mul3A_261 = arith.constant 16 : i32
      %mul3A_262 = arith.muli %add3A_260, %mul3A_261 : i32
      %add3A_263 = arith.constant 16 : i32
      %add3A_264 = arith.addi %mul3A_262, %add3A_263 : i32
      %get3A_265 = arith.index_cast %add3A_264 : i32 to index
      %get3A_266 = tpu.vector_load %arg4[%get3A_265] {strides = array<i32>} : memref<2064xi32, #tpu.memory_space<vmem>>, vector<16xi32>,
      %add3A_267 = vector.broadcast %mul3A_262 : i32 to vector<16xi32>
      %add3A_268 = arith.addi %add3A_267, %iota3A : vector<16xi32>
      %ne3A_269 = arith.constant 0 : i32
      %ne3A_270 = vector.broadcast %ne3A_269 : i32 to vector<16xi32>
      %ne3A_271 = arith.cmpi ne, %get3A_266, %ne3A_270 : vector<16xi32>
      %ge3A = vector.broadcast %select_n3A_197 : i32 to vector<16xi32>
      %ge3A_272 = arith.cmpi sge, %add3A_268, %ge3A : vector<16xi32>
      %and3A_273 = arith.andi %ne3A_271, %ge3A_272 : vector<16xi1>
      %lt3A_274 = vector.broadcast %min3A_215 : i32 to vector<16xi32>
      %lt3A_275 = arith.cmpi slt, %add3A_268, %lt3A_274 : vector<16xi32>
      %and3A_276 = arith.andi %and3A_273, %lt3A_275 : vector<16xi1>
      %jit3A_277 = arith.constant 1.000000e+00 : f32
      %jit3A_278 = arith.constant 0.000000e+00 : f32
      %broadcast_in_dim3A_279 = vector.broadcast %jit3A_277 : f32 to vector<16xf32>
      %broadcast_in_dim3A_280 = vector.broadcast %jit3A_278 : f32 to vector<16xf32>
      %select_n3A_281 = arith.select %and3A_276, %broadcast_in_dim3A_279, %broadcast_in_dim3A_280 : vector<16xi1>, vector<16xf32>
      %min3A_282 = arith.constant 127 : i32
      %min3A_283 = vector.broadcast %min3A_282 : i32 to vector<16xi32>
      %min3A_284 = arith.minsi %get3A_266, %min3A_283 : vector<16xi32>
      %add3A_285 = arith.addi %mul3A_218, %min3A_284 : vector<16xi32>
      tpu.vector_store_idx %arg5[%add3A_285], %select_n3A_281 {add = true} : memref<2048xf32, #tpu.memory_space<vmem>>[vector<16xi32>], vector<16xf32>,
    }
    %scan3A_224 = arith.constant 128 : i32
    %get3A = arith.constant 2048 : index
    %get3A_225 = tpu.vector_load %arg4[%get3A] {strides = array<i32>} : memref<2064xi32, #tpu.memory_space<vmem>>, vector<16xi32>,
    %slice3A_226 = vector.extract_strided_slice %get3A_225 {offsets = [15], sizes = [1], strides = [1]} : vector<16xi32> to vector<1xi32>
    %squeeze3A_227 = vector.extract %slice3A_226[0] : i32 from vector<1xi32>
    %sub3A_228 = arith.constant 2048 : i32
    %sub3A_229 = arith.subi %add3A_213, %sub3A_228 : i32
    %max3A = arith.constant 0 : i32
    %max3A_230 = arith.maxsi %sub3A_229, %max3A : i32
    %eq3A_231 = arith.constant 0 : i32
    %eq3A_232 = vector.broadcast %eq3A_231 : i32 to vector<16xi32>
    %eq3A_233 = arith.cmpi eq, %iota3A, %eq3A_232 : vector<16xi32>
    %ne3A = arith.constant 0 : i32
    %ne3A_234 = arith.cmpi ne, %squeeze3A_227, %ne3A : i32
    %and3A = vector.broadcast %ne3A_234 : i1 to vector<16xi1>
    %and3A_235 = arith.andi %eq3A_233, %and3A : vector<16xi1>
    %gt3A = arith.constant 0 : i32
    %gt3A_236 = arith.cmpi sgt, %max3A_230, %gt3A : i32
    %and3A_237 = vector.broadcast %gt3A_236 : i1 to vector<16xi1>
    %and3A_238 = arith.andi %and3A_235, %and3A_237 : vector<16xi1>
    %min3A_239 = arith.constant 127 : i32
    %min3A_240 = arith.minsi %squeeze3A_227, %min3A_239 : i32
    %add3A_241 = vector.broadcast %min3A_240 : i32 to vector<16xi32>
    %add3A_242 = arith.addi %broadcast_in_dim3A_0, %add3A_241 : vector<16xi32>
    %convert_element_type3A = arith.sitofp %max3A_230 : i32 to f32
    %add3A_243 = vector.broadcast %convert_element_type3A : f32 to vector<16xf32>
    %add3A_244 = arith.addf %broadcast_in_dim3A_2, %add3A_243 : vector<16xf32>
    tpu.vector_store_idx %arg5[%add3A_242], %add3A_244 masked %and3A_238 {add = true} : memref<2048xf32, #tpu.memory_space<vmem>>[vector<16xi32>], vector<16xf32>, vector<16xi1>
    %scan3A_245 = arith.constant 0 : i32
    %scan3A_246 = arith.constant 0 : i32
    %scan3A_247 = arith.constant 8 : i32
    %scan3A_248 = arith.addi %scan3A_246, %scan3A_247 : i32
    %scan3A_249 = arith.constant 1 : i32
    %scan3A_250 = scf.for %scan3A_256 = %scan3A_246 to %scan3A_248 step %scan3A_249 iter_args(%scan3A_257 = %scan3A_245) -> (i32)  : i32 {
      %scan3A_258 = arith.constant 0 : i32
      %scan3A_259 = arith.constant 16 : i32
      %scan3A_260 = arith.addi %scan3A_258, %scan3A_259 : i32
      %scan3A_261 = arith.constant 1 : i32
      %scan3A_262 = scf.for %scan3A_269 = %scan3A_258 to %scan3A_260 step %scan3A_261 iter_args(%scan3A_270 = %broadcast_in_dim3A_2) -> (vector<16xf32>)  : i32 {
        %mul3A_271 = arith.constant 128 : i32
        %mul3A_272 = arith.muli %scan3A_269, %mul3A_271 : i32
        %mul3A_273 = arith.constant 16 : i32
        %mul3A_274 = arith.muli %scan3A_256, %mul3A_273 : i32
        %add3A_275 = arith.addi %mul3A_272, %mul3A_274 : i32
        %get3A_276 = arith.index_cast %add3A_275 : i32 to index
        %get3A_277 = tpu.vector_load %arg5[%get3A_276] {strides = array<i32>} : memref<2048xf32, #tpu.memory_space<vmem>>, vector<16xf32>,
        %add3A_278 = arith.addf %scan3A_270, %get3A_277 : vector<16xf32>
        scf.yield %add3A_278 : vector<16xf32>
      }
      %scan3A_263 = arith.constant 16 : i32
      %mul3A_264 = arith.constant 16 : i32
      %mul3A_265 = arith.muli %scan3A_256, %mul3A_264 : i32
      %swap3A_266 = arith.index_cast %mul3A_265 : i32 to index
      %swap3A_267 = tpu.vector_load %arg6[%swap3A_266] {strides = array<i32>} : memref<128xf32, #tpu.memory_space<vmem>>, vector<16xf32>,
      tpu.vector_store %arg6[%swap3A_266], %scan3A_262 {strides = array<i32>} : memref<128xf32, #tpu.memory_space<vmem>>, vector<16xf32>,
      %scan3A_268 = arith.constant 0 : i32
      scf.yield %scan3A_268 : i32
    }
    %scan3A_251 = arith.constant 8 : i32
    %eq3A_252 = arith.constant 0 : i32
    %eq3A_253 = arith.cmpi eq, %arg0, %eq3A_252 : i32
    %convert_element_type3A_254 = arith.extui %eq3A_253 : i1 to i32
    %cond3A = arith.constant 0 : i32
    %cond3A_255 = arith.cmpi ne, %convert_element_type3A_254, %cond3A : i32
    scf.if %cond3A_255 {
      "tpu.region"() ({
        %run_scoped3A = tpu.sem_alloc : memref<!tpu.dma_semaphore, #tpu.memory_space<semaphore_mem>>
        %dma_start3A = arith.constant 0 : i32
        %dma_start3A_256 = tpu.memref_slice %arg3[%arg1, %dma_start3A] : memref<16x128xf32, #tpu.memory_space<hbm>> -> memref<1x128xf32, #tpu.memory_space<hbm>>
        %dma_start3A_257 = tpu.memref_squeeze %dma_start3A_256 : memref<1x128xf32, #tpu.memory_space<hbm>> -> memref<128xf32, #tpu.memory_space<hbm>>
        %dma_start3A_258 = arith.constant 0 : i32
        %dma_start3A_259 = tpu.memref_slice %arg3[%arg1, %dma_start3A_258] : memref<16x128xf32, #tpu.memory_space<hbm>> -> memref<1x128xf32, #tpu.memory_space<hbm>>
        %dma_start3A_260 = tpu.memref_squeeze %dma_start3A_259 : memref<1x128xf32, #tpu.memory_space<hbm>> -> memref<128xf32, #tpu.memory_space<hbm>>
        tpu.enqueue_dma source(%arg6 : memref<128xf32, #tpu.memory_space<vmem>>) target(%dma_start3A_260 : memref<128xf32, #tpu.memory_space<hbm>>) target_semaphore(%run_scoped3A : memref<!tpu.dma_semaphore, #tpu.memory_space<semaphore_mem>>)
        %dma_wait3A = arith.constant 0 : i32
        %dma_wait3A_261 = tpu.memref_slice %arg3[%arg1, %dma_wait3A] : memref<16x128xf32, #tpu.memory_space<hbm>> -> memref<1x128xf32, #tpu.memory_space<hbm>>
        %dma_wait3A_262 = tpu.memref_squeeze %dma_wait3A_261 : memref<1x128xf32, #tpu.memory_space<hbm>> -> memref<128xf32, #tpu.memory_space<hbm>>
        %dma_wait3A_263 = arith.constant 0 : i32
        %dma_wait3A_264 = tpu.memref_slice %arg3[%arg1, %dma_wait3A_263] : memref<16x128xf32, #tpu.memory_space<hbm>> -> memref<1x128xf32, #tpu.memory_space<hbm>>
        %dma_wait3A_265 = tpu.memref_squeeze %dma_wait3A_264 : memref<1x128xf32, #tpu.memory_space<hbm>> -> memref<128xf32, #tpu.memory_space<hbm>>
        tpu.wait_dma2 semaphore(%run_scoped3A : memref<!tpu.dma_semaphore, #tpu.memory_space<semaphore_mem>>) src(%arg6 : memref<128xf32, #tpu.memory_space<vmem>>) dst(%dma_wait3A_265 : memref<128xf32, #tpu.memory_space<hbm>>)
        tpu.yield
      }) : () -> ()
    } else {
    }
    return
  }
}

module attributes {stable_mosaic.version = 14 : i64} {
  func.func @_tc_matmul_kernel(%arg0: memref<16x128xf32, #tpu.memory_space<vmem>>, %arg1: memref<100x512xf32, #tpu.memory_space<vmem>>, %arg2: memref<2048x512xf32, #tpu.memory_space<vmem>>, %arg3: memref<512x512xf32, #tpu.memory_space<vmem>>, %arg4: memref<16x512xf32, #tpu.memory_space<vmem>>) attributes {dimension_semantics = [], scalar_prefetch = 0 : i64, scratch_operands = 0 : i64, tpu.core_type = #tpu.core_type<tc>} {
    %get3A = arith.constant 0 : index
    %get3A_0 = arith.constant 0 : index
    %get3A_1 = vector.load %arg0[%get3A, %get3A_0] : memref<16x128xf32, #tpu.memory_space<vmem>>, vector<16x128xf32>
    %reduce_sum3A = arith.constant dense<0.000000e+00> : vector<16xf32>
    %reduce_sum3A_2 = vector.multi_reduction <add>, %get3A_1, %reduce_sum3A [1] : vector<16x128xf32> to vector<16xf32>
    %broadcast_in_dim3A = vector.shape_cast %reduce_sum3A_2 : vector<16xf32> to vector<16x1xf32>
    %iota3A = tpu.iota {dimensions = array<i32: 1>} : vector<16x2048xi32>
    %convert_element_type3A = arith.fptosi %broadcast_in_dim3A : vector<16x1xf32> to vector<16x1xi32>
    %lt3A = vector.broadcast %convert_element_type3A : vector<16x1xi32> to vector<16x2048xi32>
    %lt3A_3 = arith.cmpi slt, %iota3A, %lt3A : vector<16x2048xi32>
    %convert_element_type3A_4 = arith.extui %lt3A_3 : vector<16x2048xi1> to vector<16x2048xi32>
    %convert_element_type3A_5 = arith.sitofp %convert_element_type3A_4 : vector<16x2048xi32> to vector<16x2048xf32>
    %slice3A = vector.extract_strided_slice %get3A_1 {offsets = [0, 0], sizes = [16, 100], strides = [1, 1]} : vector<16x128xf32> to vector<16x100xf32>
    %get3A_6 = arith.constant 0 : index
    %get3A_7 = arith.constant 0 : index
    %get3A_8 = vector.load %arg1[%get3A_6, %get3A_7] : memref<100x512xf32, #tpu.memory_space<vmem>>, vector<100x512xf32>
    %dot_general3A = arith.constant dense<0.000000e+00> : vector<16x512xf32>
    %dot_general3A_9 = tpu.matmul %slice3A, %get3A_8, %dot_general3A {dimension_numbers = #tpu.dot_dimension_numbers<[1], [0], [0], [1], [0, 0, 1, 1], [], []>, transpose_lhs_hint = false} : vector<16x100xf32>, vector<100x512xf32>, vector<16x512xf32> -> vector<16x512xf32>
    %get3A_10 = arith.constant 0 : index
    %get3A_11 = arith.constant 0 : index
    %get3A_12 = vector.load %arg2[%get3A_10, %get3A_11] : memref<2048x512xf32, #tpu.memory_space<vmem>>, vector<2048x512xf32>
    %dot_general3A_13 = arith.constant dense<0.000000e+00> : vector<16x512xf32>
    %dot_general3A_14 = tpu.matmul %convert_element_type3A_5, %get3A_12, %dot_general3A_13 {dimension_numbers = #tpu.dot_dimension_numbers<[1], [0], [0], [1], [0, 0, 1, 1], [], []>, transpose_lhs_hint = false} : vector<16x2048xf32>, vector<2048x512xf32>, vector<16x512xf32> -> vector<16x512xf32>
    %add3A = arith.addf %dot_general3A_9, %dot_general3A_14 : vector<16x512xf32>
    %div3A = vector.broadcast %broadcast_in_dim3A : vector<16x1xf32> to vector<16x512xf32>
    %div3A_15 = arith.divf %add3A, %div3A : vector<16x512xf32>
    %get3A_16 = arith.constant 0 : index
    %get3A_17 = arith.constant 0 : index
    %get3A_18 = vector.load %arg3[%get3A_16, %get3A_17] : memref<512x512xf32, #tpu.memory_space<vmem>>, vector<512x512xf32>
    %dot_general3A_19 = arith.constant dense<0.000000e+00> : vector<16x512xf32>
    %dot_general3A_20 = tpu.matmul %div3A_15, %get3A_18, %dot_general3A_19 {dimension_numbers = #tpu.dot_dimension_numbers<[1], [0], [0], [1], [0, 0, 1, 1], [], []>, transpose_lhs_hint = false} : vector<16x512xf32>, vector<512x512xf32>, vector<16x512xf32> -> vector<16x512xf32>
    %swap3A = arith.constant 0 : index
    %swap3A_21 = arith.constant 0 : index
    %swap3A_22 = vector.load %arg4[%swap3A, %swap3A_21] : memref<16x512xf32, #tpu.memory_space<vmem>>, vector<16x512xf32>
    tpu.vector_store %arg4[%swap3A, %swap3A_21], %dot_general3A_20 {strides = array<i32>} : memref<16x512xf32, #tpu.memory_space<vmem>>, vector<16x512xf32>,
    return
  }
}

</mosaic_0001>

<sc_bundles>
// kernel: kernel.4.cloned.1.call-start
scs
__scs_entry_jumppad:
0x0: {  	(pc) =	sbr.rel $0x88, $3  }
0x1: {  	(tag) =	ssettag $0x0;
	lr =	simm.s32 $0x1  }
0x2: {  	[smem:$0x3F9D] =	sst lr;
	_ =	strace $0xD0000000  }
0x3: {  	_ = 	snop  }
0x4: {  	_ = 	snop  }
0x5: {  	_ = 	snop  }
0x6: {  	_ = 	snop  }
0x7: {  	_ = 	snop  }
__scs_overlays_trampoline_lowered:
0x8: {  	[smem:$0x3FAC] =	sst s0  }
0x9: {  	[smem:$0x3FAD] =	sst s1  }
0xa: {  	[smem:$0x3FAE] =	sst s2  }
0xb: {  	[smem:$0x3FAF] =	sst s3  }
0xc: {  	[smem:$0x3FB0] =	sst s4  }
0xd: {  	[smem:$0x3FB1] =	sst s5  }
0xe: {  	[smem:$0x3FB2] =	sst s6  }
0xf: {  	[smem:$0x3FB3] =	sst s7  }
0x10: {  	[smem:$0x3FB4] =	sst s8  }
0x11: {  	[smem:$0x3FB5] =	sst s9;
	s0 =	simm.s32 @!p0 $0x0  }
0x12: {  	s1 =	sld [smem:$0x3F9B];
	s0 =	simm.s32 @p0 $0x1  }
0x13: {  	[smem:$0x3FB6] =	sst s0;
	s0 =	simm.s32 @!p1 $0x0  }
0x14: {  	s2 =	sld [smem:$0x3F9A];
	s0 =	simm.s32 @p1 $0x1  }
0x15: {  	[smem:$0x3FB7] =	sst s0;
	s0 =	simm.s32 @!p2 $0x0  }
0x16: {  	s3 =	sld [smem:$0x3FDB];
	s0 =	simm.s32 @p2 $0x1  }
0x17: {  	s4 =	simm.s32 $0x1BF5;
	[smem:$0x3FB9] =	sst s0  }
0x18: {  	s0 =	sld [smem:$0x3F9C];
	_ =	swait.ge [sflag:s4], $0x0  }
0x19: {  	s7 =	sld [smem:$0x3F9D]  }
0x1a: {  	s8 =	sadd.s32 $0xFFFFE003, lr  }
0x1b: {  	s9 =	sadd.s32 $0xFFFFFEF7, lr;
	s5 =	simm.s32 $0xFFFFFFFF;
	p2 =	slt.u32 s8, $0xFFFFF086  }
0x1c: {  	p1 =	slt.u32 s9, $0xF7A;
	s5 =	simm.s32 @!p2 $0x0  }
0x1d: {  	s5 =	simm.s32 @p1 $0x1;
	p0 =	seq.s32 s7, s2  }
0x1e: {  	s7 =	smul.u32 @!p0 $0xF7A, s2;
	p2 =	seq.s32 @!p0 s5, $0x0  }
0x1f: {  	s9 =	smul.u32 $0xF7A, s1;
	s8 =	simm.s32 @!p0 $0x1BF5;
	p2 =	por !p2, p0  }
0x20: {  	[sflag:s8] =	ssyncset.s32 @!p0 $0xFFFFF086;
	s6 =	sadd.s32 @!p0 s3, s7;
	s7 =	simm.s32 @!p0 $0x108  }
0x21: {  	s3 =	sadd.s32 s3, s9;
	s6 =	sadd.s32 @!p0 $0x88, s6;
	s7 =	simm.s32 @p2 $0x1082  }
0x22: {  	[simem:s7], [sflag:s8] =	dma.local @!p0 [hbm:s6], $0xF7A  }
0x23: {  	s9 =	sor.u32 $0xD0000000, s2;
	s6 =	simm.s32 $0x108;
	_ =	swait.ge @!p0 [sflag:s8], $0x0  }
0x24: {  	s3 =	sadd.s32 $0x88, s3;
	s6 =	simm.s32 @!p1 $0x1082;
	[sflag:s4] =	ssyncset.s32 $0xFFFFF086  }
0x25: {  	[simem:s6], [sflag:s4] =	dma.local [hbm:s3], $0xF7A  }
0x26: {  	[smem:$0x3F9D] =	sst s1;
	(tag) =	ssettag s2;
	_ =	strace s9  }
0x27: {  	s1 =	sld [smem:$0x3FAD]  }
0x28: {  	s2 =	sld [smem:$0x3FAE]  }
0x29: {  	s4 =	sld [smem:$0x3FB0]  }
0x2a: {  	p0 =	seq.s32 s5, $0x0;
	s5 =	sld [smem:$0x3FB1]  }
0x2b: {  	s6 =	sld [smem:$0x3FB2]  }
0x2c: {  	s7 =	sld [smem:$0x3FB3]  }
0x2d: {  	s3 =	simm.s32 $0x108;
	s8 =	sld [smem:$0x3FB4]  }
0x2e: {  	s3 =	simm.s32 @!p0 $0x1082;
	s9 =	sld [smem:$0x3FB5]  }
0x2f: {  	lr =	sadd.s32 s0, s3;
	s0 =	sld [smem:$0x3FAC]  }
0x30: {  	s3 =	sld [smem:$0x3FAF]  }
0x31: {  	[smem:$0x3FB8] =	sst s10  }
0x32: {  	s10 =	sld [smem:$0x3FB6];
	_ =	sdelay $0x3  }
0x33: {  	p0 =	seq.s32 s10, $0x1;
	s10 =	sld [smem:$0x3FB8];
	_ =	sdelay $0x3  }
0x34: {  	[smem:$0x3FB8] =	sst s10  }
0x35: {  	s10 =	sld [smem:$0x3FB7];
	_ =	sdelay $0x3  }
0x36: {  	p1 =	seq.s32 s10, $0x1;
	s10 =	sld [smem:$0x3FB8];
	_ =	sdelay $0x3  }
0x37: {  	[smem:$0x3FB8] =	sst s10  }
0x38: {  	s10 =	sld [smem:$0x3FB9]  }
0x39: {  	_ = 	snop;
	(pc) =	sbr.ind lr, $3  }
0x3a: {  	_ = 	snop  }
0x3b: {  	_ = 	snop  }
0x3c: {  	p2 =	seq.s32 s10, $0x1;
	s10 =	sld [smem:$0x3FB8]  }
0x3d: {  	_ =	shalt  }
0x3e: {  	_ =	shalt  }
0x3f: {  	_ =	shalt  }
0x40: {  	_ =	shalt  }
0x41: {  	_ =	shalt  }
0x42: {  	_ =	shalt  }
0x43: {  	_ =	shalt  }
0x44: {  	_ =	shalt  }
0x45: {  	_ =	shalt  }
0x46: {  	_ =	shalt  }
0x47: {  	_ =	shalt  }
0x48: {  	_ =	shalt  }
0x49: {  	_ =	shalt  }
0x4a: {  	_ =	shalt  }
0x4b: {  	_ =	shalt  }
0x4c: {  	_ =	shalt  }
0x4d: {  	_ =	shalt  }
0x4e: {  	_ =	shalt  }
0x4f: {  	_ =	shalt  }
0x50: {  	_ =	shalt  }
0x51: {  	_ =	shalt  }
0x52: {  	_ =	shalt  }
0x53: {  	_ =	shalt  }
0x54: {  	_ =	shalt  }
0x55: {  	_ =	shalt  }
0x56: {  	_ =	shalt  }
0x57: {  	_ =	shalt  }
0x58: {  	_ =	shalt  }
0x59: {  	_ =	shalt  }
0x5a: {  	_ =	shalt  }
0x5b: {  	_ =	shalt  }
0x5c: {  	_ =	shalt  }
0x5d: {  	_ =	shalt  }
0x5e: {  	_ =	shalt  }
0x5f: {  	_ =	shalt  }
0x60: {  	_ =	shalt  }
0x61: {  	_ =	shalt  }
0x62: {  	_ =	shalt  }
0x63: {  	_ =	shalt  }
0x64: {  	_ =	shalt  }
0x65: {  	_ =	shalt  }
0x66: {  	_ =	shalt  }
0x67: {  	_ =	shalt  }
0x68: {  	_ =	shalt  }
0x69: {  	_ =	shalt  }
0x6a: {  	_ =	shalt  }
0x6b: {  	_ =	shalt  }
0x6c: {  	_ =	shalt  }
0x6d: {  	_ =	shalt  }
0x6e: {  	_ =	shalt  }
0x6f: {  	_ =	shalt  }
0x70: {  	_ =	shalt  }
0x71: {  	_ =	shalt  }
0x72: {  	_ =	shalt  }
0x73: {  	_ =	shalt  }
0x74: {  	_ =	shalt  }
0x75: {  	_ =	shalt  }
0x76: {  	_ =	shalt  }
0x77: {  	_ =	shalt  }
0x78: {  	_ =	shalt  }
0x79: {  	_ =	shalt  }
0x7a: {  	_ =	shalt  }
0x7b: {  	_ =	shalt  }
0x7c: {  	_ =	shalt  }
0x7d: {  	_ =	shalt  }
0x7e: {  	_ =	shalt  }
0x7f: {  	_ =	shalt  }
0x80: {  	_ =	shalt  }
0x81: {  	_ =	shalt  }
0x82: {  	_ =	shalt  }
0x83: {  	_ =	shalt  }
0x84: {  	_ =	shalt  }
0x85: {  	_ =	shalt  }
0x86: {  	_ =	shalt  }
0x87: {  	_ =	shalt  }
.Lfunc_end0:
.L_simem_size_0:
called_computation_lowered:
.L_overlay_start_0:
0x88: {  	s0 =	sld [smem:$0x3FD9]  }
0x89: {  	s1 =	sld [smem:$0x3FFE];
	_ =	sdelay $0x3  }
0x8a: {  	s0 =	sadd.s32 s1, s0  }
0x8b: {  	[smem:$0x3FC4] =	sst s0  }
0x8c: {  	_ = 	snop  }
0x8d: {  	s0 =	sld [smem:$0x3FD0];
	(tm) =	ssettm $0x1  }
0x8e: {  	s16 =	sld [smem:$0x3FFB];
	_ =	sdelay $0x3  }
0x8f: {  	_ =	strace s16  }
0x90: {  	s1 =	sld [smem:$0x3FFC];
	_ =	sdelay $0x3  }
0x91: {  	_ =	strace s1  }
0x92: {  	s1 =	sld [smem:$0x3FFD];
	_ =	sdelay $0x3  }
0x93: {  	_ =	strace s1  }
0x94: {  	_ =	strace $0x8FFFFFFF  }
0x95: {  	s17 =	sld [smem:$0x3FDB];
	_ =	sdelay $0x1  }
0x96: {  	s2 =	simm.s32 $_scs_section_size  }
0x97: {  	s3 =	simm.s32 $_size__tile_overlayer_lowered;
	s4 =	simm.s32 $_tile_overlayer_lowered  }
0x98: {  	s20 =	simm.s32 $0x1BFF;
	s19 =	sshll.u32 s4, $0x1;
	s1 =	sadd.s32 s2, s17  }
0x99: {  	s5 =	simm.s32 $0x0;
	s18 =	sshll.u32 s3, $0x1;
	s3 =	sadd.s32 s19, s1  }
0x9a: {  	[timem:s5], [sflag:s20] =	dma.local [hbm:s3], s18  }
0x9b: {  	_ =	swait.ge [sflag:s20], s18  }
0x9c: {  	s2 =	ssub.s32 $0x0, s18;
	[sflag:s20] =	ssyncset.done $0x0  }
0x9d: {  	[sflag:s20] =	ssyncadd.s32 s2;
	_ =	sdelay $0x1  }
0x9e: {  	s21 =	simm.s32 $0x1B8B  }
0x9f: {  	_ =	swait.ge [sflag:s21], $0x1  }
0xa0: {  	[sflag:s21] =	ssyncset.done $0x0  }
0xa1: {  	s23 =	simm.s32 $0x1B8E;
	s22 =	sld [smem:$0x3FFE];
	[sflag:s21] =	ssyncadd.s32 $0xFFFFFFFF  }
0xa2: {  	s24 =	simm.s32 $execute0_lowered;
	[smem:$0x3FD2] =	sst s23  }
0xa3: {  	s3 =	sshll.u32 s24, $0x1;
	_ =	strace $0x80000046;
	[dreg:$0x1] =	wrdreg $0xFFFFFFFF  }
0xa4: {  	s25 =	simm.s32 $_size_execute0_lowered;
	s1 =	sadd.s32 s1, s3;
	[dreg:$0x0] =	wrdreg $0x0  }
0xa5: {  	s3 =	sshll.u32 s25, $0x1;
	[dreg:$0x2] =	wrdreg s1  }
0xa6: {  	[dreg:$0x3] =	wrdreg s3  }
0xa7: {  	[dreg:$0x4] =	wrdreg $0xC0  }
0xa8: {  	_ =	task [dreg:s5], $0x5FFFF  }
0xa9: {  	[dreg:$0x1] =	wrdreg $0xFFFFFFFF  }
0xaa: {  	[dreg:$0x0] =	wrdreg $0x60  }
0xab: {  	[dreg:$0x2] =	wrdreg s22  }
0xac: {  	[dreg:$0x3] =	wrdreg s0  }
0xad: {  	[dreg:$0x4] =	wrdreg $0x11A00  }
0xae: {  	[dreg:$0x5] =	wrdreg $0x9  }
0xaf: {  	_ =	task.clear_ibuf [dreg:s5], $0x6FFFF;
	_ =	strace $0x90000046  }
0xb0: {  	s26 =	simm.s32 $0x9;
	_ =	strace $0x80000048  }
0xb1: {  	_ =	swait.ge [sflag:s26], $0x1  }
0xb2: {  	[sflag:s26] =	ssyncadd.s32 $0xFFFFFFFF  }
0xb3: {  	_ =	strace $0x90000048  }
0xb4: {  	_ =	sfence  }
0xb5: {  	s28 =	sld [smem:$0x0];
	_ =	sdelay $0x1  }
0xb6: {  	s29 =	srdreg.scid  }
0xb7: {  	s30 =	sshll.u32 s29, $0xD;
	s31 =	sshrl.u32 s29, $0x2  }
0xb8: {  	s2 =	sand.u32 $0x4000, s30;
	s1 =	sand.u32 $0x1, s29;
	s0 =	sadd.s32 s31, s28  }
0xb9: {  	s1 =	sor.u32 s2, s1;
	s0 =	sshll.u32 s0, $0x11  }
0xba: {  	s0 =	sor.u32 s0, s1  }
0xbb: {  	s0 =	sadd.s32 $0x8F2B, s0  }
0xbc: {  	[sflag:s0] =	ssyncadd.remote.s32 $0x1  }
0xbd: {  	_ =	sfence.sel $0xFFFF  }
0xbe: {  	[dreg:$0x0] =	wrdreg $0xFFFFFFFF;
	(pc) =	sbr.abs _section_cstart, $3  }
0xbf: {  	[dreg:$0x1] =	wrdreg $0xFFFFFFFF  }
0xc0: {  	_ =	task.clear_ibuf [dreg:s5], $0x2FFFF;
	_ =	strace $0x9FFFFFFF  }
0xc1: {  	(tm) =	ssettm $0x7FFFFFFF  }
tec
execute0_lowered:
.L_overlay_start_1:
0x0: {  	(tag) =	ssettag $0x1  }
0x1: {  	s4 =	rddreg [dreg:$0x0]  }
0x2: {  	s2 =	rddreg [dreg:$0x1]  }
0x3: {  	s3 =	rddreg [dreg:$0x2];
	s1 =	stileid.u32  }
0x4: {  	s0 =	rddreg [dreg:$0x3];
	s5 =	simm.s32 $0x0;
	s6 =	sshll.u32 s1, $0x8  }
0x5: {  	v0 =	vimm.s32 $0x0;
	s28 =	simm.s32 $0x10;
	[smem:$0x7FF] =	sst s5;
	s4 =	sadd.s32 s6, s4  }
0x6: {  	s29 =	simm.s32 $0x1;
	_ =	strace $0x80000047;
	[tilespmem:$0x0] =	vst v0;
	s4 =	sadd.s32 $0xC00, s4  }
0x7: {  	[tilespmem:s28], [sflag:$0x1] =	stream.linear.gather [hbm4b:s4+s5], $0x800, $0x38;
	[tilespmem:$0x11B0] =	vst v63  }
0x8: {  	_ =	swait.ge [sflag:s29], $0x800  }
0x9: {  	[sflag:s29] =	ssyncset.done $0x0  }
0xa: {  	[sflag:s29] =	ssyncadd.s32 $0xFFFFF800  }
0xb: {  	v1 =	vld [tilespmem:s28+$0x0]  }
0xc: {  	v2 =	vld [tilespmem:s28+$0xFFFFFFFF]  }
0xd: {  	s30 =	simm.s32 $0x810;
	v8 =	vimm.f32 $0.0e+00  }
0xe: {  	s31 =	simm.s32 $0x20;
	[tilespmem:s30+$0x0] =	vst v8  }
0xf: {  	v10 =	vld [tilespmem:s31+$0x0]  }
0x10: {  	v7 =	vlaneseq.u32;
	v4 =	vimm.s32 $0x40000000  }
0x11: {  	vm0 =	veq.s32 v1, $0x0;
	vm1 =	vne.s32 v2, $0x0;
	v2 =	vor.u32 s5, v7  }
0x12: {  	v9 =	vld [tilespmem:s31+$0xFFFFFFFF];
	vm2 =	vmor vm0, vm1;
	vm0 =	vmand vm0, vm1;
	vm1 =	vne.s32 v1, $0x0  }
0x13: {  	v3 =	vsel vm2, $0x40000000, v2;
	v1 =	vnsel vm0, $0x40000000, v2;
	v2 =	vsel vm1, $0x1, v0  }
0x14: {  	vm1 =	veq.s32 v10, $0x0;
	vm0 =	vlt.s32 v4, v3;
	vm2 =	vlt.s32 v4, v1  }
0x15: {  	s4 =	simm.s32 $0x820;
	v6 =	vsel vm0, v3, v4;
	v5 =	vsel vm0, v4, v3;
	v3 =	vsel vm2, v4, v1  }
0x16: {  	s7 =	simm.s32 $0x30;
	s6 =	simm.s32 $0x20;
	[tilespmem:s4+$0x0] =	vst v8;
	s5 =	simm.s32 $0x10;
	vm0 =	vne.s32 v10, $0x0;
	v1 =	vimm.s32 $0x0;
	vm3 =	vlt.s32 v4, v6  }
.LBB2_1:
0x17: {  	v10 =	vld [tilespmem:s7+$0x0];
	p0 =	sne.s32 s6, $0x7F0;
	vm2 =	vne.s32 v9, $0x0;
	v4 =	vsel vm3, v4, v6;
	v1 =	vadd.s32 v2, v1;
	s8 =	smov.u32 s6;
	s6 =	sadd.s32 $0x10, s6  }
.Ltmp0:
0x18: {  	v2 =	vor.u32 s5, v7;
	s4 =	sadd.s32 $0x10, s4;
	v9 =	vld [tilespmem:s7+$0xFFFFFFFF];
	vm3 =	vmor vm1, vm2;
	vm1 =	vmand vm1, vm2;
	s5 =	smov.u32 s8;
	(pc) =	sbr.rel @p0 .LBB2_1-.Ltmp0, $4  }
0x19: {  	[tilespmem:s4+$0x0] =	vst v8;
	v11 =	vsel vm3, $0x40000000, v2;
	v12 =	vnsel vm1, $0x40000000, v2  }
0x1a: {  	v2 =	vsel vm0, $0x1, v0;
	vm1 =	vlt.s32 v5, v11;
	vm2 =	vlt.s32 v3, v12  }
0x1b: {  	v6 =	vsel vm1, v11, v5;
	v5 =	vsel vm1, v5, v11;
	v3 =	vsel vm2, v3, v12  }
0x1c: {  	s7 =	sadd.s32 $0x10, s7;
	vm0 =	vne.s32 v10, $0x0;
	vm1 =	veq.s32 v10, $0x0;
	vm3 =	vlt.s32 v4, v6  }
0x1d: {  	vm2 =	vne.s32 v9, $0x0  }
0x1e: {  	v7 =	vor.u32 s5, v7;
	vm4 =	vmor vm1, vm2  }
0x1f: {  	v8 =	vsel vm4, $0x40000000, v7  }
0x20: {  	vm4 =	vlt.s32 v5, v8  }
0x21: {  	v63 =	vsel vm4, v5, v8  }
0x22: {  	(v2sf) =	vpush v63, $0x0  }
0x23: {  	(v2sf) =	vpush v63, $0x1;
	_ =	sdelay $0x1  }
0x24: {  	(v2sf) =	vpush v63, $0x2;
	_ =	sdelay $0x1  }
0x25: {  	(v2sf) =	vpush v63, $0x3;
	_ =	sdelay $0x1  }
0x26: {  	(v2sf) =	vpush v63, $0x4;
	_ =	sdelay $0x1  }
0x27: {  	(v2sf) =	vpush v63, $0x5;
	_ =	sdelay $0x1  }
0x28: {  	(v2sf) =	vpush v63, $0x6;
	_ =	sdelay $0x1  }
0x29: {  	(v2sf) =	vpush v63, $0x7;
	_ =	sdelay $0x1  }
0x2a: {  	s4 =	spop (v2sf);
	(v2sf) =	vpush v63, $0x8  }
0x2b: {  	s5 =	spop (v2sf)  }
0x2c: {  	(v2sf) =	vpush v63, $0x9;
	p0 =	slt.s32 s4, s5  }
0x2d: {  	s5 =	smov.u32 @p0 s4;
	s4 =	spop (v2sf)  }
0x2e: {  	(v2sf) =	vpush v63, $0xA;
	p0 =	slt.s32 s5, s4  }
0x2f: {  	s4 =	smov.u32 @p0 s5;
	s5 =	spop (v2sf)  }
0x30: {  	(v2sf) =	vpush v63, $0xB;
	p0 =	slt.s32 s4, s5  }
0x31: {  	s5 =	smov.u32 @p0 s4;
	s4 =	spop (v2sf)  }
0x32: {  	(v2sf) =	vpush v63, $0xC;
	p0 =	slt.s32 s5, s4  }
0x33: {  	s4 =	smov.u32 @p0 s5;
	s5 =	spop (v2sf)  }
0x34: {  	(v2sf) =	vpush v63, $0xD;
	p0 =	slt.s32 s4, s5  }
0x35: {  	s5 =	smov.u32 @p0 s4;
	s4 =	spop (v2sf)  }
0x36: {  	(v2sf) =	vpush v63, $0xE;
	p0 =	slt.s32 s5, s4  }
0x37: {  	s4 =	smov.u32 @p0 s5;
	s5 =	spop (v2sf)  }
0x38: {  	(v2sf) =	vpush v63, $0xF;
	p0 =	slt.s32 s4, s5  }
0x39: {  	s5 =	smov.u32 @p0 s4;
	s4 =	spop (v2sf)  }
0x3a: {  	p0 =	slt.s32 s5, s4  }
0x3b: {  	s4 =	smov.u32 @p0 s5;
	s5 =	spop (v2sf)  }
0x3c: {  	p0 =	slt.s32 s4, s5  }
0x3d: {  	s5 =	smov.u32 @p0 s4;
	s4 =	spop (v2sf)  }
0x3e: {  	p0 =	slt.s32 s5, s4  }
0x3f: {  	s4 =	smov.u32 @p0 s5;
	s5 =	spop (v2sf)  }
0x40: {  	p0 =	slt.s32 s4, s5  }
0x41: {  	s5 =	smov.u32 @p0 s4;
	s4 =	spop (v2sf)  }
0x42: {  	p0 =	slt.s32 s5, s4  }
0x43: {  	s4 =	smov.u32 @p0 s5;
	s5 =	spop (v2sf)  }
0x44: {  	p0 =	slt.s32 s4, s5  }
0x45: {  	s6 =	spop (v2sf);
	s5 =	smov.u32 @p0 s4  }
0x46: {  	p0 =	slt.s32 s5, s6  }
0x47: {  	s4 =	spop (v2sf);
	s6 =	smov.u32 @p0 s5  }
0x48: {  	v4 =	vsel vm3, v4, v6;
	v5 =	vsel vm4, v8, v5;
	p0 =	slt.s32 s6, s4  }
0x49: {  	vm3 =	vlt.s32 v4, v5;
	s4 =	smov.u32 @p0 s6  }
0x4a: {  	v4 =	vsel vm3, v4, v5;
	vm13 =	veq.s32 v63, s4  }
0x4b: {  	v4 =	vsel vm13, v4, v63  }
0x4c: {  	(v2sf) =	vpush v4, $0x0  }
0x4d: {  	(v2sf) =	vpush v4, $0x1  }
0x4e: {  	(v2sf) =	vpush v4, $0x2  }
0x4f: {  	(v2sf) =	vpush v4, $0x3  }
0x50: {  	(v2sf) =	vpush v4, $0x4  }
0x51: {  	(v2sf) =	vpush v4, $0x5  }
0x52: {  	(v2sf) =	vpush v4, $0x6  }
0x53: {  	(v2sf) =	vpush v4, $0x7  }
0x54: {  	(v2sf) =	vpush v4, $0x8  }
0x55: {  	(v2sf) =	vpush v4, $0x9  }
0x56: {  	(v2sf) =	vpush v4, $0xA  }
0x57: {  	(v2sf) =	vpush v4, $0xB  }
0x58: {  	vm14 =	vmand vm1, vm2;
	(v2sf) =	vpush v4, $0xC  }
0x59: {  	v5 =	vnsel vm14, $0x40000000, v7;
	(v2sf) =	vpush v4, $0xD  }
0x5a: {  	vm1 =	vlt.s32 v3, v5;
	(v2sf) =	vpush v4, $0xE  }
0x5b: {  	v3 =	vsel vm1, v3, v5;
	s15 =	spop (v2sf);
	(v2sf) =	vpush v4, $0xF  }
0x5c: {  	s16 =	spop (v2sf);
	(v2sf) =	vpush v3, $0x0  }
0x5d: {  	s18 =	spop (v2sf);
	(v2sf) =	vpush v3, $0x1  }
0x5e: {  	s19 =	spop (v2sf);
	(v2sf) =	vpush v3, $0x2  }
0x5f: {  	s22 =	spop (v2sf);
	(v2sf) =	vpush v3, $0x3  }
0x60: {  	s14 =	spop (v2sf);
	(v2sf) =	vpush v3, $0x4  }
0x61: {  	s17 =	spop (v2sf);
	(v2sf) =	vpush v3, $0x5  }
0x62: {  	s13 =	spop (v2sf);
	(v2sf) =	vpush v3, $0x6  }
0x63: {  	s12 =	spop (v2sf);
	(v2sf) =	vpush v3, $0x7  }
0x64: {  	s11 =	spop (v2sf);
	(v2sf) =	vpush v3, $0x8  }
0x65: {  	s10 =	spop (v2sf);
	(v2sf) =	vpush v3, $0x9  }
0x66: {  	s9 =	spop (v2sf);
	(v2sf) =	vpush v3, $0xA  }
0x67: {  	s8 =	spop (v2sf);
	(v2sf) =	vpush v3, $0xB  }
0x68: {  	p0 =	slt.s32 s15, s16;
	s7 =	spop (v2sf);
	(v2sf) =	vpush v3, $0xC  }
0x69: {  	s16 =	smov.u32 @p0 s15;
	s6 =	spop (v2sf);
	(v2sf) =	vpush v3, $0xD  }
0x6a: {  	v1 =	vadd.s32 v2, v1;
	v0 =	vsel vm0, $0x1, v0;
	p0 =	slt.s32 s16, s18;
	s5 =	spop (v2sf);
	(v2sf) =	vpush v3, $0xE  }
0x6b: {  	v0 =	vadd.s32 v0, v1;
	s18 =	smov.u32 @p0 s16;
	s20 =	spop (v2sf);
	(v2sf) =	vpush v3, $0xF  }
0x6c: {  	p0 =	slt.s32 s18, s19;
	s23 =	spop (v2sf);
	(v2sf) =	vpush v0, $0x0  }
0x6d: {  	s19 =	smov.u32 @p0 s18;
	s24 =	spop (v2sf);
	(v2sf) =	vpush v0, $0x1;
	p0 =	slt.s32 s20, s23  }
0x6e: {  	s25 =	spop (v2sf);
	(v2sf) =	vpush v0, $0x2;
	s23 =	smov.u32 @p0 s20;
	p0 =	slt.s32 s19, s22  }
0x6f: {  	s26 =	spop (v2sf);
	(v2sf) =	vpush v0, $0x3;
	s22 =	smov.u32 @p0 s19;
	p0 =	slt.s32 s23, s24  }
0x70: {  	s28 =	spop (v2sf);
	s24 =	smov.u32 @p0 s23;
	p0 =	slt.s32 s22, s14  }
0x71: {  	(v2sf) =	vpush v0, $0x4;
	s29 =	spop (v2sf);
	s14 =	smov.u32 @p0 s22;
	p0 =	slt.s32 s24, s25  }
0x72: {  	(v2sf) =	vpush v0, $0x5;
	s30 =	spop (v2sf);
	s25 =	smov.u32 @p0 s24;
	p0 =	slt.s32 s14, s17  }
0x73: {  	(v2sf) =	vpush v0, $0x6;
	s31 =	spop (v2sf);
	s17 =	smov.u32 @p0 s14;
	p0 =	slt.s32 s25, s26  }
0x74: {  	s21 =	spop (v2sf);
	s26 =	smov.u32 @p0 s25;
	p0 =	slt.s32 s17, s13  }
0x75: {  	(v2sf) =	vpush v0, $0x7;
	s20 =	spop (v2sf);
	s13 =	smov.u32 @p0 s17;
	p0 =	slt.s32 s26, s28  }
0x76: {  	s19 =	spop (v2sf);
	s28 =	smov.u32 @p0 s26  }
0x77: {  	(v2sf) =	vpush v0, $0x8;
	s18 =	spop (v2sf);
	p0 =	slt.s32 s28, s29  }
0x78: {  	s16 =	spop (v2sf);
	s29 =	smov.u32 @p0 s28  }
0x79: {  	(v2sf) =	vpush v0, $0x9;
	s15 =	spop (v2sf);
	p0 =	slt.s32 s29, s30  }
0x7a: {  	s14 =	spop (v2sf);
	s30 =	smov.u32 @p0 s29;
	p0 =	slt.s32 s13, s12  }
0x7b: {  	(v2sf) =	vpush v0, $0xA;
	s23 =	spop (v2sf);
	p1 =	slt.s32 s30, s31;
	s12 =	smov.u32 @p0 s13  }
0x7c: {  	(v2sf) =	vpush v0, $0xB;
	s24 =	spop (v2sf);
	s31 =	smov.u32 @p1 s30;
	p0 =	slt.s32 s12, s11  }
0x7d: {  	(v2sf) =	vpush v0, $0xC;
	s17 =	sadd.s32 s24, s23;
	s25 =	spop (v2sf);
	p1 =	slt.s32 s31, s21  }
0x7e: {  	(v2sf) =	vpush v0, $0xD;
	s11 =	smov.u32 @p0 s12;
	s17 =	sadd.s32 s25, s17;
	s26 =	spop (v2sf)  }
0x7f: {  	(v2sf) =	vpush v0, $0xE;
	s21 =	smov.u32 @p1 s31;
	p0 =	slt.s32 s11, s10;
	s17 =	sadd.s32 s26, s17  }
0x80: {  	(v2sf) =	vpush v0, $0xF;
	s28 =	spop (v2sf);
	p1 =	slt.s32 s21, s20;
	s10 =	smov.u32 @p0 s11  }
0x81: {  	s17 =	sadd.s32 s28, s17;
	s29 =	spop (v2sf);
	s20 =	smov.u32 @p1 s21  }
0x82: {  	p0 =	slt.s32 s10, s9;
	s17 =	sadd.s32 s29, s17;
	s23 =	spop (v2sf)  }
0x83: {  	p1 =	slt.s32 s20, s19;
	s9 =	smov.u32 @p0 s10;
	s17 =	sadd.s32 s23, s17  }
0x84: {  	s24 =	spop (v2sf);
	s19 =	smov.u32 @p1 s20;
	p0 =	slt.s32 s9, s8  }
0x85: {  	s25 =	sadd.s32 s24, s17;
	p1 =	slt.s32 s19, s18;
	s8 =	smov.u32 @p0 s9  }
0x86: {  	s26 =	spop (v2sf);
	s18 =	smov.u32 @p1 s19;
	p0 =	slt.s32 s8, s7  }
0x87: {  	s28 =	sadd.s32 s26, s25;
	p1 =	slt.s32 s18, s16;
	s7 =	smov.u32 @p0 s8  }
0x88: {  	s29 =	spop (v2sf);
	s16 =	smov.u32 @p1 s18;
	p0 =	slt.s32 s7, s6  }
0x89: {  	s30 =	sadd.s32 s29, s28;
	p1 =	slt.s32 s16, s15;
	s6 =	smov.u32 @p0 s7  }
0x8a: {  	s31 =	spop (v2sf);
	s15 =	smov.u32 @p1 s16;
	p0 =	slt.s32 s6, s5  }
0x8b: {  	s12 =	sadd.s32 s31, s30;
	s13 =	spop (v2sf);
	p1 =	slt.s32 s15, s14  }
0x8c: {  	s5 =	smov.u32 @p0 s6;
	s17 =	sadd.s32 s13, s12;
	s19 =	spop (v2sf)  }
0x8d: {  	s14 =	smov.u32 @p1 s15;
	s20 =	sadd.s32 s19, s17;
	s21 =	spop (v2sf)  }
0x8e: {  	p0 =	slt.s32 s5, $0x40000000;
	s22 =	sadd.s32 s21, s20;
	s23 =	spop (v2sf)  }
0x8f: {  	s4 =	ssub.s32 s4, s14;
	s24 =	sadd.s32 s23, s22;
	s25 =	spop (v2sf)  }
0x90: {  	s4 =	simm.s32 @!p0 $0x0;
	s6 =	sadd.s32 s25, s24  }
0x91: {  	s6 =	sadd.s32 s4, s6  }
0x92: {  	s4 =	sshll.u32 s1, $0x4;
	v0 =	vmov s6  }
0x93: {  	s28 =	simm.s32 $0x1190;
	s29 =	simm.s32 $0x1;
	s26 =	sadd.s32 s4, s3;
	[tilespmem:$0x1190] =	vst v0  }
0x94: {  	[spmem:s26] =	stream.linear.scatter [tilespmem:s28], [sflag:$0x1], $0x10, $0x38;
	[tilespmem:$0x11B0] =	vst v63  }
0x95: {  	_ =	swait.ge [sflag:s29], $0x10  }
0x96: {  	[sflag:s29] =	ssyncset.done $0x0  }
0x97: {  	[sflag:s29] =	ssyncadd.s32 $0xFFFFFFF0  }
0x98: {  	s30 =	simm.s32 $0x1090;
	[bflag:$0x0] =	sbarrier.arrive $0xFFFF  }
0x99: {  	[tilespmem:s30], [sflag:$0x1] =	stream.linear.gather [spmem:s3], $0x100, $0x38;
	[tilespmem:$0x11B0] =	vst v63  }
0x9a: {  	_ =	swait.ge [sflag:s29], $0x100  }
0x9b: {  	[sflag:s29] =	ssyncset.done $0x0  }
0x9c: {  	[sflag:s29] =	ssyncadd.s32 $0xFFFFFF00  }
0x9d: {  	v0 =	vld [tilespmem:$0x1090]  }
0x9e: {  	v1 =	vld [tilespmem:$0x10A0];
	_ =	sdelay $0x1  }
0x9f: {  	v2 =	vld [tilespmem:$0x10B0];
	_ =	sdelay $0x1  }
0xa0: {  	v3 =	vld [tilespmem:$0x10C0]  }
0xa1: {  	vm15 =	vgt.s32 v0, v1  }
0xa2: {  	v0 =	vsel vm15, v0, v1;
	v1 =	vld [tilespmem:$0x10D0]  }
0xa3: {  	vm0 =	vgt.s32 v0, v2  }
0xa4: {  	v0 =	vsel vm0, v0, v2;
	v2 =	vld [tilespmem:$0x10E0]  }
0xa5: {  	vm0 =	vgt.s32 v0, v3  }
0xa6: {  	v0 =	vsel vm0, v0, v3;
	v3 =	vld [tilespmem:$0x10F0]  }
0xa7: {  	vm0 =	vgt.s32 v0, v1  }
0xa8: {  	v0 =	vsel vm0, v0, v1;
	v1 =	vld [tilespmem:$0x1100]  }
0xa9: {  	vm0 =	vgt.s32 v0, v2  }
0xaa: {  	v0 =	vsel vm0, v0, v2;
	v2 =	vld [tilespmem:$0x1110]  }
0xab: {  	vm0 =	vgt.s32 v0, v3  }
0xac: {  	v0 =	vsel vm0, v0, v3;
	v3 =	vld [tilespmem:$0x1120]  }
0xad: {  	vm0 =	vgt.s32 v0, v1  }
0xae: {  	v0 =	vsel vm0, v0, v1;
	v1 =	vld [tilespmem:$0x1130]  }
0xaf: {  	vm0 =	vgt.s32 v0, v2  }
0xb0: {  	v0 =	vsel vm0, v0, v2;
	v2 =	vld [tilespmem:$0x1140]  }
0xb1: {  	vm0 =	vgt.s32 v0, v3  }
0xb2: {  	v0 =	vsel vm0, v0, v3;
	v3 =	vld [tilespmem:$0x1150]  }
0xb3: {  	vm0 =	vgt.s32 v0, v1  }
0xb4: {  	v0 =	vsel vm0, v0, v1;
	v1 =	vld [tilespmem:$0x1160]  }
0xb5: {  	vm0 =	vgt.s32 v0, v2  }
0xb6: {  	v0 =	vsel vm0, v0, v2;
	v2 =	vld [tilespmem:$0x1170]  }
0xb7: {  	vm0 =	vgt.s32 v0, v3  }
0xb8: {  	v0 =	vsel vm0, v0, v3;
	v3 =	vld [tilespmem:$0x1180]  }
0xb9: {  	vm0 =	vgt.s32 v0, v1  }
0xba: {  	v0 =	vsel vm0, v0, v1  }
0xbb: {  	vm0 =	vgt.s32 v0, v2  }
0xbc: {  	v0 =	vsel vm0, v0, v2  }
0xbd: {  	vm0 =	vgt.s32 v0, v3  }
0xbe: {  	v0 =	vsel vm0, v0, v3  }
0xbf: {  	vm0 =	vgt.s32 v0, $0x0  }
0xc0: {  	v0 =	vnsel vm0, $0x0, v0  }
0xc1: {  	(v2sf) =	vpush v0, $0x0;
	_ =	sdelay $0xe  }
0xc2: {  	s5 =	simm.s32 @!p0 $0x0;
	s31 =	spop (v2sf)  }
0xc3: {  	s3 =	sadd.s32 s5, s31  }
0xc4: {  	p0 =	slt.s32 s3, $0x800;
	s7 =	smov.u32 s3  }
0xc5: {  	s6 =	simm.s32 $0x10;
	v2 =	vimm.f32 $0.0e+00;
	v3 =	vlaneseq.u32;
	s7 =	simm.s32 @!p0 $0x800  }
0xc6: {  	s8 =	simm.s32 $0x10;
	v5 =	vld [tilespmem:s6+$0x0];
	v4 =	vmul.u32 $0x80, v3;
	v0 =	vmov s5;
	s5 =	simm.s32 $0x810;
	v1 =	vmov s7;
	s7 =	simm.s32 $0x0  }
.LBB2_3:
0xc7: {  	p0 =	sne.s32 s8, $0x7F0;
	_ =	sdelay $0x3  }
0xc8: {  	vm0 =	vlt.s32 v5, $0x7F  }
0xc9: {  	v6 =	vnsel vm0, $0x7F, v5  }
0xca: {  	v7 =	vor.u32 s7, v3;
	s7 =	smov.u32 s8;
	v6 =	vadd.s32 v4, v6  }
0xcb: {  	vm1 =	vge.s32 v7, v0;
	vm0 =	vne.s32 v5, $0x0  }
.Ltmp1:
0xcc: {  	vm0 =	vmand vm1, vm0;
	vm1 =	vlt.s32 v7, v1;
	(pc) =	sbr.rel @p0 .LBB2_3-.Ltmp1, $4  }
0xcd: {  	vm0 =	vmand vm1, vm0  }
0xce: {  	v5 =	vsel vm0, $0x3F800000, v2  }
0xcf: {  	s6 =	sadd.s32 $0x10, s6;
	[tilespmem:v6+s5+$0x0] =	vst.idx.add.f32.msk $0xffff, v5  }
0xd0: {  	s8 =	sadd.s32 $0x10, s8;
	v5 =	vld [tilespmem:s6+$0x0]  }
0xd1: {  	_ =	sdelay $0x3  }
0xd2: {  	vm0 =	vlt.s32 v5, $0x7F  }
0xd3: {  	v6 =	vnsel vm0, $0x7F, v5  }
0xd4: {  	v3 =	vor.u32 s7, v3;
	v4 =	vadd.s32 v4, v6  }
0xd5: {  	vm1 =	vge.s32 v3, v0;
	vm13 =	vne.s32 v5, $0x0  }
0xd6: {  	vm14 =	vlt.s32 v3, v1;
	vm0 =	vmand vm1, vm13  }
0xd7: {  	vm0 =	vmand vm14, vm0  }
0xd8: {  	v0 =	vsel vm0, $0x3F800000, v2  }
0xd9: {  	[tilespmem:v4+s5+$0x0] =	vst.idx.add.f32.msk $0xffff, v0  }
0xda: {  	v0 =	vld [tilespmem:$0x800];
	_ =	sdelay $0x4  }
0xdb: {  	(v2sf) =	vpush v0, $0xF;
	_ =	sdelay $0xe  }
0xdc: {  	s3 =	sadd.s32 $0xFFFFF800, s3;
	s5 =	spop (v2sf)  }
0xdd: {  	p0 =	sgt.s32 s3, $0x0;
	p1 =	sne.s32 s5, $0x0  }
0xde: {  	p1 =	por !p0, !p1  }
0xdf: {  	vm0 =	vmxor vm0, vm0;
	p1 =	por !p1, !p1  }
0xe0: {  	vm15 =	vmmov $0x1;
	vm0 =	vmneg @p1 vm0;
	p1 =	slt.s32 s5, $0x7F  }
0xe1: {  	vm0 =	vmand vm0, vm15;
	s5 =	simm.s32 @!p1 $0x7F  }
0xe2: {  	v0 =	vmov s5  }
0xe3: {  	s3 =	simm.s32 @!p0 $0x0  }
0xe4: {  	s3 =	scvt.s32.f32 s3;
	_ =	sdelay $0x1  }
0xe5: {  	s31 =	simm.s32 $0x810;
	v1 =	vmov s3  }
0xe6: {  	s5 =	simm.s32 $0x0;
	[tilespmem:v0+s31+$0x0] =	vst.idx.add.f32.msk vm0, v1  }
0xe7: {  	v0 =	vld [tilespmem:s5+$0x810];
	_ =	sdelay $0x1  }
0xe8: {  	v1 =	vld [tilespmem:s5+$0x890];
	_ =	sdelay $0x1  }
0xe9: {  	v2 =	vld [tilespmem:s5+$0x910]  }
0xea: {  	v0 =	vadd.f32 $0.0e+00, v0  }
0xeb: {  	v3 =	vld [tilespmem:s5+$0x990]  }
0xec: {  	v0 =	vadd.f32 v1, v0  }
0xed: {  	v1 =	vld [tilespmem:s5+$0xA10]  }
0xee: {  	v0 =	vadd.f32 v2, v0  }
0xef: {  	v2 =	vld [tilespmem:s5+$0xA90]  }
0xf0: {  	v0 =	vadd.f32 v3, v0  }
0xf1: {  	v3 =	vld [tilespmem:s5+$0xB10]  }
0xf2: {  	v0 =	vadd.f32 v1, v0  }
0xf3: {  	s3 =	simm.s32 $0x10;
	v1 =	vld [tilespmem:s5+$0xB90]  }
0xf4: {  	v4 =	vld [tilespmem:s3+$0x810];
	v0 =	vadd.f32 v2, v0  }
0xf5: {  	v2 =	vld [tilespmem:s5+$0xC10]  }
0xf6: {  	v5 =	vld [tilespmem:s3+$0x890];
	v0 =	vadd.f32 v3, v0  }
0xf7: {  	v3 =	vld [tilespmem:s5+$0xC90]  }
0xf8: {  	v6 =	vld [tilespmem:s3+$0x910];
	v0 =	vadd.f32 v1, v0  }
0xf9: {  	v1 =	vld [tilespmem:s5+$0xD10]  }
0xfa: {  	v7 =	vld [tilespmem:s3+$0x990];
	v4 =	vadd.f32 $0.0e+00, v4;
	v0 =	vadd.f32 v2, v0  }
0xfb: {  	v2 =	vld [tilespmem:s5+$0xD90]  }
0xfc: {  	v8 =	vld [tilespmem:s3+$0xA10];
	v4 =	vadd.f32 v5, v4;
	v0 =	vadd.f32 v3, v0  }
0xfd: {  	v5 =	vld [tilespmem:s5+$0xE10]  }
0xfe: {  	v9 =	vld [tilespmem:s3+$0xA90];
	v3 =	vadd.f32 v6, v4;
	v0 =	vadd.f32 v1, v0  }
0xff: {  	v6 =	vld [tilespmem:s5+$0xE90]  }
0x100: {  	v1 =	vadd.f32 v7, v3;
	v3 =	vld [tilespmem:s3+$0xB10];
	v2 =	vadd.f32 v2, v0  }
0x101: {  	v0 =	vld [tilespmem:s5+$0xF10]  }
0x102: {  	v4 =	vld [tilespmem:s3+$0xB90];
	v7 =	vadd.f32 v8, v1;
	v8 =	vadd.f32 v5, v2  }
0x103: {  	v1 =	vld [tilespmem:s5+$0xF90]  }
0x104: {  	s6 =	simm.s32 $0x20;
	s7 =	simm.s32 $0xC0;
	v5 =	vadd.f32 v9, v7;
	v2 =	vld [tilespmem:s3+$0xC10];
	v6 =	vadd.f32 v6, v8  }
.LBB2_5:
0x105: {  	p0 =	sne.s32 s7, $0x1C0;
	v7 =	vld [tilespmem:s6+$0x810]  }
0x106: {  	v3 =	vadd.f32 v3, v5;
	v5 =	vld [tilespmem:s3+$0xC90];
	v0 =	vadd.f32 v0, v6  }
0x107: {  	v6 =	vld [tilespmem:s6+$0x890]  }
0x108: {  	v3 =	vadd.f32 v4, v3;
	v4 =	vld [tilespmem:s3+$0xD10];
	v0 =	vadd.f32 v1, v0  }
0x109: {  	v1 =	vld [tilespmem:s6+$0x910]  }
0x10a: {  	v7 =	vadd.f32 $0.0e+00, v7;
	v2 =	vadd.f32 v2, v3;
	v3 =	vld [tilespmem:s3+$0xD90];
	[tilespmem:s5+$0x1010] =	vst v0;
	s5 =	smov.u32 s3;
	s3 =	smov.u32 s6  }
0x10b: {  	v0 =	vld [tilespmem:s3+$0x990]  }
0x10c: {  	v6 =	vadd.f32 v6, v7;
	v2 =	vadd.f32 v5, v2;
	v5 =	vld [tilespmem:s5+$0xE10]  }
0x10d: {  	v7 =	vld [tilespmem:s3+$0xA10]  }
0x10e: {  	v1 =	vadd.f32 v1, v6;
	v2 =	vadd.f32 v4, v2;
	v6 =	vld [tilespmem:s5+$0xE90]  }
0x10f: {  	v8 =	vld [tilespmem:s3+$0xA90]  }
.Ltmp2:
0x110: {  	v1 =	vadd.f32 v0, v1;
	v2 =	vadd.f32 v3, v2;
	v0 =	vld [tilespmem:s5+$0xF10];
	(pc) =	sbr.rel @p0 .LBB2_5-.Ltmp2, $4  }
0x111: {  	v3 =	vld [tilespmem:s3+$0xB10]  }
0x112: {  	v7 =	vadd.f32 v7, v1;
	v9 =	vadd.f32 v5, v2;
	v1 =	vld [tilespmem:s5+$0xF90]  }
0x113: {  	v4 =	vld [tilespmem:s3+$0xB90]  }
0x114: {  	s6 =	sshra.s32 s7, $0x2;
	s7 =	sadd.s32 $0x40, s7;
	v5 =	vadd.f32 v8, v7;
	v2 =	vld [tilespmem:s3+$0xC10];
	v6 =	vadd.f32 v6, v9  }
0x115: {  	v7 =	vld [tilespmem:s6+$0x810]  }
0x116: {  	v8 =	vld [tilespmem:s3+$0xC90];
	v0 =	vadd.f32 v0, v6  }
0x117: {  	v44 =	vld [tilespmem:s6+$0x890]  }
0x118: {  	v9 =	vld [tilespmem:s3+$0xD10];
	v3 =	vadd.f32 v3, v5;
	v0 =	vadd.f32 v1, v0  }
0x119: {  	v45 =	vld [tilespmem:s6+$0x910]  }
0x11a: {  	v46 =	vld [tilespmem:s3+$0xD90];
	v3 =	vadd.f32 v4, v3;
	v47 =	vadd.f32 $0.0e+00, v7;
	[tilespmem:s5+$0x1010] =	vst v0  }
0x11b: {  	v0 =	vld [tilespmem:s6+$0x990]  }
0x11c: {  	v2 =	vadd.f32 v2, v3;
	v48 =	vadd.f32 v44, v47  }
0x11d: {  	v49 =	vld [tilespmem:s6+$0xA10]  }
0x11e: {  	v50 =	vld [tilespmem:s3+$0xE10];
	v2 =	vadd.f32 v8, v2;
	v1 =	vadd.f32 v45, v48  }
0x11f: {  	v51 =	vld [tilespmem:s6+$0xA90]  }
0x120: {  	v52 =	vld [tilespmem:s3+$0xE90];
	v2 =	vadd.f32 v9, v2;
	v0 =	vadd.f32 v0, v1  }
0x121: {  	v53 =	vld [tilespmem:s6+$0xB10]  }
0x122: {  	v54 =	vld [tilespmem:s3+$0xF10];
	v2 =	vadd.f32 v46, v2;
	v0 =	vadd.f32 v49, v0  }
0x123: {  	v55 =	vld [tilespmem:s6+$0xB90]  }
0x124: {  	v56 =	vld [tilespmem:s3+$0xF90];
	v2 =	vadd.f32 v50, v2;
	v0 =	vadd.f32 v51, v0  }
0x125: {  	v57 =	vld [tilespmem:s6+$0xC10]  }
0x126: {  	v2 =	vadd.f32 v52, v2;
	v0 =	vadd.f32 v53, v0  }
0x127: {  	v58 =	vld [tilespmem:s6+$0xC90]  }
0x128: {  	v2 =	vadd.f32 v54, v2;
	v0 =	vadd.f32 v55, v0  }
0x129: {  	v59 =	vld [tilespmem:s6+$0xD10]  }
0x12a: {  	v2 =	vadd.f32 v56, v2;
	v0 =	vadd.f32 v57, v0  }
0x12b: {  	v60 =	vld [tilespmem:s6+$0xD90]  }
0x12c: {  	[tilespmem:s3+$0x1010] =	vst v2;
	v0 =	vadd.f32 v58, v0  }
0x12d: {  	v61 =	vld [tilespmem:s6+$0xE10]  }
0x12e: {  	v0 =	vadd.f32 v59, v0  }
0x12f: {  	v2 =	vld [tilespmem:s6+$0xE90]  }
0x130: {  	v0 =	vadd.f32 v60, v0  }
0x131: {  	v62 =	vld [tilespmem:s6+$0xF10]  }
0x132: {  	v0 =	vadd.f32 v61, v0  }
0x133: {  	v63 =	vld [tilespmem:s6+$0xF90]  }
0x134: {  	v0 =	vadd.f32 v2, v0;
	_ =	sdelay $0x1  }
0x135: {  	v0 =	vadd.f32 v62, v0;
	_ =	sdelay $0x1  }
0x136: {  	v0 =	vadd.f32 v63, v0  }
0x137: {  	s2 =	sadd.s32 s2, s4  }
0x138: {  	s29 =	simm.s32 $0x0;
	s30 =	simm.s32 $0x1010;
	s31 =	simm.s32 $0x1;
	[tilespmem:s6+$0x1010] =	vst v0  }
0x139: {  	[hbm4b:s2+s29] =	stream.linear.scatter [tilespmem:s30], [sflag:$0x1], $0x80, $0x38;
	[tilespmem:$0x11B0] =	vst v63  }
0x13a: {  	_ =	swait.ge [sflag:s31], $0x80  }
0x13b: {  	[sflag:s31] =	ssyncset.done $0x0  }
0x13c: {  	[sflag:s31] =	ssyncadd.s32 $0xFFFFFF80  }
0x13d: {  	_ =	sfence.sel $0x180000  }
0x13e: {  	[bflag:$0x0] =	sbarrier.arrive $0xFFFF  }
0x13f: {  	p0 =	sne.s32 s1, $0x0;
	_ =	strace $0x90000047  }
0x140: {  	s0 =	sadd.s32 @!p0 $0x100000, s0;
	[bflag:$0x2] =	sbarrier.arrive $0xFFFF  }
0x141: {  	[sflag:s0] =	ssyncadd.tile.s32 @!p0 $0x1;
	_ =	shalt  }
.Lfunc_end2:
_tile_overlayer_lowered:
.L_overlay_start_2:
0x142: {  	(tag) =	ssettag $0x2  }
0x143: {  	s0 =	rddreg [dreg:$0x0];
	s2 =	stileid.u32  }
0x144: {  	s1 =	rddreg [dreg:$0x1];
	p0 =	sne.s32 s2, $0x0  }
0x145: {  	s3 =	rddreg [dreg:$0x2];
	[bflag:$0x3] =	sbarrier.arrive $0xFFFF;
	s2 =	simm.s32 @!p0 $0x1C01  }
0x146: {  	[timem:s3], [sflag:s2] =	dma.local @!p0 [hbm:s0], s1  }
0x147: {  	s0 =	simm.s32 @!p0 $0x1  }
0x148: {  	_ =	swait.ge @!p0 [sflag:s0], s1  }
0x149: {  	s1 =	ssub.s32 @!p0 $0x0, s1;
	[sflag:s0] =	ssyncset.done @!p0 $0x0  }
0x14a: {  	[sflag:s0] =	ssyncadd.s32 @!p0 s1  }
0x14b: {  	[bflag:$0x3] =	sbarrier.arrive $0xFFFF  }
0x14c: {  	_ =	shalt  }

</sc_bundles>
